<compile_context>
chip_gen: v7x
topology: tpu7x:2x2x1
jax: 0.10.2.dev20260603
libtpu: 0.0.44.dev20260713+nightly
codegen_flags: <defaults>
</compile_context>

<pallas_src>
import functools

import jax
import jax.numpy as jnp
from jax import lax
from jax.experimental import pallas as pl
from jax.experimental.pallas import tpu as pltpu
from jax.experimental.pallas import tpu_sc as plsc

N = 10000
E = 320000
D = 128
D_OUT = 64

NC = 2
NS = 16
NW = NC * NS
CH = 128
NCHUNK = 80
EPW = NCHUNK * CH
EP = NW * EPW
NP = 10240
RPS = NP // NS


@functools.cache
def _make_sc_degree():
    mesh = plsc.VectorSubcoreMesh(core_axis_name="c", subcore_axis_name="s")

    @functools.partial(
        pl.kernel,
        out_type=jax.ShapeDtypeStruct((NC * NP,), jnp.float32),
        mesh=mesh,
        scratch_types=[
            pltpu.VMEM((NCHUNK, CH), jnp.int32),
            pltpu.VMEM((CH,), jnp.float32),
            pltpu.VMEM_SHARED((NP,), jnp.float32),
            pltpu.SemaphoreType.DMA,
        ],
    )
    def _sc_degree(dst3, ones_hbm, zeros_hbm, out_hbm, didx, ones_v, acc, sem):
        cid = lax.axis_index("c")
        sid = lax.axis_index("s")
        wid = cid * NS + sid
        r0 = pl.multiple_of(sid * RPS, 8)
        pltpu.sync_copy(zeros_hbm.at[pl.ds(r0, RPS)], acc.at[pl.ds(r0, RPS)])
        pltpu.sync_copy(ones_hbm, ones_v)
        pltpu.sync_copy(dst3.at[wid], didx)
        plsc.subcore_barrier()

        def body(j, carry):
            pltpu.async_copy(ones_v, acc.at[didx.at[j]], sem, add=True)

            @pl.when(j >= 8)
            def _():
                pltpu.make_async_copy(ones_v, acc.at[didx.at[0]], sem).wait()

            return carry

        lax.fori_loop(0, NCHUNK, body, 0)

        def drain(j, carry):
            pltpu.make_async_copy(ones_v, acc.at[didx.at[0]], sem).wait()
            return carry

        lax.fori_loop(0, 8, drain, 0)
        plsc.subcore_barrier()
        pltpu.sync_copy(acc.at[pl.ds(r0, RPS)], out_hbm.at[pl.ds(cid * NP + r0, RPS)])

    return _sc_degree


@functools.cache
def _make_sc_agg():
    mesh = plsc.VectorSubcoreMesh(core_axis_name="c", subcore_axis_name="s")

    @functools.partial(
        pl.kernel,
        out_type=jax.ShapeDtypeStruct((NC * NP, D), jnp.float32),
        mesh=mesh,
        scratch_types=[
            pltpu.VMEM((CH,), jnp.int32),
            pltpu.VMEM((CH,), jnp.int32),
            pltpu.VMEM((CH,), jnp.int32),
            pltpu.VMEM((CH,), jnp.int32),
            pltpu.VMEM((CH, D), jnp.float32),
            pltpu.VMEM((CH, D), jnp.float32),
            pltpu.VMEM_SHARED((NP, D), jnp.float32),
            pltpu.SemaphoreType.DMA,
            pltpu.SemaphoreType.DMA,
            pltpu.SemaphoreType.DMA,
            pltpu.SemaphoreType.DMA,
            pltpu.SemaphoreType.DMA,
            pltpu.SemaphoreType.DMA,
        ],
    )
    def _sc_agg(src_hbm, dst_hbm, z_hbm, zeros_hbm, out_hbm,
                sidx0, sidx1, didx0, didx1, rows0, rows1, acc,
                ssem0, ssem1, dsem0, dsem1, gsem0, gsem1):
        cid = lax.axis_index("c")
        sid = lax.axis_index("s")
        wid = cid * NS + sid
        ebase = wid * EPW
        r0 = pl.multiple_of(sid * RPS, 8)
        pltpu.sync_copy(zeros_hbm.at[pl.ds(r0, RPS)], acc.at[pl.ds(r0, RPS)])

        def src_start(j, sv, ssem):
            base = pl.multiple_of(ebase + j * CH, 8)
            pltpu.async_copy(src_hbm.at[pl.ds(base, CH)], sv, ssem)

        def src_wait(sv, ssem):
            pltpu.make_async_copy(src_hbm.at[pl.ds(0, CH)], sv, ssem).wait()

        def dst_start(j, dv, dsem):
            base = pl.multiple_of(ebase + j * CH, 8)
            pltpu.async_copy(dst_hbm.at[pl.ds(base, CH)], dv, dsem)

        def dst_wait(dv, dsem):
            pltpu.make_async_copy(dst_hbm.at[pl.ds(0, CH)], dv, dsem).wait()

        def gather_start(sv, rv, gsem):
            pltpu.async_copy(z_hbm.at[sv], rv, gsem)

        def gather_wait(sv, rv, gsem):
            pltpu.make_async_copy(z_hbm.at[sv], rv, gsem).wait()

        plsc.subcore_barrier()

        src_start(0, sidx0, ssem0)
        dst_start(0, didx0, dsem0)
        src_start(1, sidx1, ssem1)
        dst_start(1, didx1, dsem1)
        src_wait(sidx0, ssem0)
        gather_start(sidx0, rows0, gsem0)

        def body(i, carry):
            j0 = 2 * i
            j1 = j0 + 1
            last = i >= NCHUNK // 2 - 1
            src_wait(sidx1, ssem1)
            gather_start(sidx1, rows1, gsem1)
            gather_wait(sidx0, rows0, gsem0)

            @pl.when(jnp.logical_not(last))
            def _():
                src_start(j0 + 2, sidx0, ssem0)

            dst_wait(didx0, dsem0)
            pltpu.sync_copy(rows0, acc.at[didx0], add=True)

            @pl.when(jnp.logical_not(last))
            def _():
                dst_start(j0 + 2, didx0, dsem0)
                src_wait(sidx0, ssem0)
                gather_start(sidx0, rows0, gsem0)

            gather_wait(sidx1, rows1, gsem1)

            @pl.when(jnp.logical_not(last))
            def _():
                src_start(j1 + 2, sidx1, ssem1)

            dst_wait(didx1, dsem1)
            pltpu.sync_copy(rows1, acc.at[didx1], add=True)

            @pl.when(jnp.logical_not(last))
            def _():
                dst_start(j1 + 2, didx1, dsem1)

            return carry

        lax.fori_loop(0, NCHUNK // 2, body, 0)
        plsc.subcore_barrier()
        pltpu.sync_copy(acc.at[pl.ds(r0, RPS)], out_hbm.at[pl.ds(cid * NP + r0, RPS)])

    return _sc_agg


def _tc_prescale_body(c0_ref, c1_ref, x_ref, z_ref):
    deg = c0_ref[...] + c1_ref[...] + 1.0
    dinv = lax.rsqrt(deg)
    z_ref[0:N, :] = x_ref[...] * dinv
    z_ref[N:NP, :] = jnp.zeros((NP - N, D), jnp.float32)


def _tc_final_body(aggp_ref, x_ref, c0_ref, c1_ref, w_ref, b_ref, out_ref):
    deg = c0_ref[...] + c1_ref[...] + 1.0
    dinv = lax.rsqrt(deg)
    g = aggp_ref[0:N, :] + aggp_ref[NP : NP + N, :]
    v = g * dinv + x_ref[...] * (dinv * dinv)
    out_ref[...] = (
        jnp.dot(v, w_ref[...], preferred_element_type=jnp.float32) + b_ref[...]
    )


def kernel(x, edge_index, W_mu, b_mu, W_logstd, b_logstd):
    pad = N + (jnp.arange(EP - E, dtype=jnp.int32) % (NP - N))
    srcp = jnp.concatenate([edge_index[0], pad])
    dstp = jnp.concatenate([edge_index[1], pad])
    ones1 = jnp.ones((CH,), jnp.float32)
    zeros1 = jnp.zeros((NP,), jnp.float32)
    zerosD = jnp.zeros((NP, D), jnp.float32)

    dst3 = dstp.reshape(NW, NCHUNK, CH)
    degp = _make_sc_degree()(dst3, ones1, zeros1)
    c0 = degp[0:N].reshape(N, 1)
    c1 = degp[NP : NP + N].reshape(N, 1)
    z = pl.pallas_call(
        _tc_prescale_body,
        out_shape=jax.ShapeDtypeStruct((NP, D), jnp.float32),
    )(c0, c1, x)
    aggp = _make_sc_agg()(srcp, dstp, z, zerosD)

    W_cat = jnp.concatenate([W_mu, W_logstd], axis=1)
    b_cat = jnp.concatenate([b_mu, b_logstd]).reshape(1, 2 * D_OUT)
    out = pl.pallas_call(
        _tc_final_body,
        out_shape=jax.ShapeDtypeStruct((N, 2 * D_OUT), jnp.float32),
    )(aggp, x, c0, c1, W_cat, b_cat)
    return out[:, :D_OUT], out[:, D_OUT:]

# --- scband reference (transcript-rebuilt; emitter-appended) ---
"""Pipeline reference for scband-variational-gcnencoder-35605278883995 (READ-ONLY COPY).

The authoritative reference and input builder live on the scoring server;
editing this copy changes nothing except your own understanding.
"""

import jax, jax.numpy as jnp
import numpy as np

N = 10000
E = 320000
D_IN = 128
D_OUT = 64


def setup_inputs(seed: int = 0) -> dict:
    key = jax.random.key(seed)
    k1, k2, k3, k4 = jax.random.split(key, 4)
    x = jax.random.normal(k1, (N, D_IN), dtype=jnp.float32)
    edge_index = jax.random.randint(k2, (2, E), 0, N, dtype=jnp.int32)
    W_mu = jax.random.normal(k3, (D_IN, D_OUT), dtype=jnp.float32) * (1.0 / np.sqrt(D_IN))
    b_mu = jnp.zeros((D_OUT,), dtype=jnp.float32)
    W_logstd = jax.random.normal(k4, (D_IN, D_OUT), dtype=jnp.float32) * (1.0 / np.sqrt(D_IN))
    b_logstd = jnp.zeros((D_OUT,), dtype=jnp.float32)
    return {"x": x, "edge_index": edge_index, "W_mu": W_mu, "b_mu": b_mu, "W_logstd": W_logstd, "b_logstd": b_logstd}


def gcn_conv(x, edge_index, W, b):
    # PyG GCNConv: add self-loops, symmetric normalization D^{-1/2} A D^{-1/2},
    # linear transform, scatter-add aggregation over destination nodes, then bias.
    src = edge_index[0]
    dst = edge_index[1]
    loop = jnp.arange(N, dtype=edge_index.dtype)
    src = jnp.concatenate([src, loop])
    dst = jnp.concatenate([dst, loop])
    ones = jnp.ones(src.shape[0], dtype=x.dtype)
    deg = jax.ops.segment_sum(ones, dst, num_segments=N)
    deg_inv_sqrt = jnp.where(deg > 0, jax.lax.rsqrt(jnp.maximum(deg, 1e-12)), 0.0)
    norm = deg_inv_sqrt[src] * deg_inv_sqrt[dst]
    h = x @ W
    msg = h[src] * norm[:, None]
    out = jax.ops.segment_sum(msg, dst, num_segments=N)
    return out + b


def reference(x, edge_index, W_mu, b_mu, W_logstd, b_logstd):
    mu = gcn_conv(x, edge_index, W_mu, b_mu)
    logstd = gcn_conv(x, edge_index, W_logstd, b_logstd)
    return (mu, logstd)

if __name__ == "__main__":
    import jax
    _d = setup_inputs()
    print(jax.jit(kernel)(*tuple(_d.values())))

</pallas_src>

<mosaic_0001>
#map = affine_map<(d0, d1) -> (0, 0, 0)>
#map1 = affine_map<(d0, d1) -> (0)>
module attributes {stable_mosaic.version = 14 : i64} {
  func.func @_sc_degree(%arg0: i32, %arg1: i32, %arg2: memref<32x80x128xi32, #tpu.memory_space<hbm>>, %arg3: memref<128xf32, #tpu.memory_space<hbm>>, %arg4: memref<10240xf32, #tpu.memory_space<hbm>>, %arg5: memref<20480xf32, #tpu.memory_space<hbm>>, %arg6: memref<80x128xi32, #tpu.memory_space<vmem>>, %arg7: memref<128xf32, #tpu.memory_space<vmem>>, %arg8: memref<10240xf32, #tpu.memory_space<vmem_shared>>, %arg9: memref<!tpu.dma_semaphore, #tpu.memory_space<semaphore_mem>>) attributes {dimension_semantics = [#tpu.dimension_semantics<core_parallel>, #tpu.dimension_semantics<subcore_parallel>], iteration_bounds = array<i64: 2, 16>, scalar_prefetch = 0 : i64, scratch_operands = 4 : i64, tpu.core_type = #tpu.core_type<sc_vector_subcore>, window_params = [{transform_indices = #map}, {transform_indices = #map1}, {transform_indices = #map1}, {transform_indices = #map1}]} {
    %mul3A = arith.constant 16 : i32
    %mul3A_0 = arith.muli %arg0, %mul3A : i32
    %add3A = arith.addi %mul3A_0, %arg1 : i32
    %mul3A_1 = arith.constant 640 : i32
    %mul3A_2 = arith.muli %arg1, %mul3A_1 : i32
    %multiple_of3A = tpu.assume_multiple %mul3A_2, 8 : i32
    "tpu.region"() ({
      %run_scoped3A = tpu.sem_alloc : memref<!tpu.dma_semaphore, #tpu.memory_space<semaphore_mem>>
      %dma_start3A = tpu.memref_slice %arg8[%multiple_of3A] : memref<10240xf32, #tpu.memory_space<vmem_shared>> -> memref<640xf32, #tpu.memory_space<vmem_shared>>
      %dma_start3A_18 = tpu.memref_slice %arg4[%multiple_of3A] : memref<10240xf32, #tpu.memory_space<hbm>> -> memref<640xf32, #tpu.memory_space<hbm>>
      tpu.enqueue_dma source(%dma_start3A_18 : memref<640xf32, #tpu.memory_space<hbm>>) target(%dma_start3A : memref<640xf32, #tpu.memory_space<vmem_shared>>) target_semaphore(%run_scoped3A : memref<!tpu.dma_semaphore, #tpu.memory_space<semaphore_mem>>)
      %dma_wait3A = tpu.memref_slice %arg8[%multiple_of3A] : memref<10240xf32, #tpu.memory_space<vmem_shared>> -> memref<640xf32, #tpu.memory_space<vmem_shared>>
      %dma_wait3A_19 = tpu.memref_slice %arg4[%multiple_of3A] : memref<10240xf32, #tpu.memory_space<hbm>> -> memref<640xf32, #tpu.memory_space<hbm>>
      tpu.wait_dma2 semaphore(%run_scoped3A : memref<!tpu.dma_semaphore, #tpu.memory_space<semaphore_mem>>) src(%dma_wait3A_19 : memref<640xf32, #tpu.memory_space<hbm>>) dst(%dma_wait3A : memref<640xf32, #tpu.memory_space<vmem_shared>>)
      tpu.yield
    }) : () -> ()
    "tpu.region"() ({
      %run_scoped3A = tpu.sem_alloc : memref<!tpu.dma_semaphore, #tpu.memory_space<semaphore_mem>>
      tpu.enqueue_dma source(%arg3 : memref<128xf32, #tpu.memory_space<hbm>>) target(%arg7 : memref<128xf32, #tpu.memory_space<vmem>>) target_semaphore(%run_scoped3A : memref<!tpu.dma_semaphore, #tpu.memory_space<semaphore_mem>>)
      tpu.wait_dma2 semaphore(%run_scoped3A : memref<!tpu.dma_semaphore, #tpu.memory_space<semaphore_mem>>) src(%arg3 : memref<128xf32, #tpu.memory_space<hbm>>) dst(%arg7 : memref<128xf32, #tpu.memory_space<vmem>>)
      tpu.yield
    }) : () -> ()
    "tpu.region"() ({
      %run_scoped3A = tpu.sem_alloc : memref<!tpu.dma_semaphore, #tpu.memory_space<semaphore_mem>>
      %dma_start3A = arith.constant 0 : i32
      %dma_start3A_18 = arith.constant 0 : i32
      %dma_start3A_19 = tpu.memref_slice %arg2[%add3A, %dma_start3A, %dma_start3A_18] : memref<32x80x128xi32, #tpu.memory_space<hbm>> -> memref<1x80x128xi32, #tpu.memory_space<hbm>>
      %dma_start3A_20 = tpu.memref_squeeze %dma_start3A_19 : memref<1x80x128xi32, #tpu.memory_space<hbm>> -> memref<80x128xi32, #tpu.memory_space<hbm>>
      %dma_start3A_21 = arith.constant 0 : i32
      %dma_start3A_22 = arith.constant 0 : i32
      %dma_start3A_23 = tpu.memref_slice %arg2[%add3A, %dma_start3A_21, %dma_start3A_22] : memref<32x80x128xi32, #tpu.memory_space<hbm>> -> memref<1x80x128xi32, #tpu.memory_space<hbm>>
      %dma_start3A_24 = tpu.memref_squeeze %dma_start3A_23 : memref<1x80x128xi32, #tpu.memory_space<hbm>> -> memref<80x128xi32, #tpu.memory_space<hbm>>
      tpu.enqueue_dma source(%dma_start3A_24 : memref<80x128xi32, #tpu.memory_space<hbm>>) target(%arg6 : memref<80x128xi32, #tpu.memory_space<vmem>>) target_semaphore(%run_scoped3A : memref<!tpu.dma_semaphore, #tpu.memory_space<semaphore_mem>>)
      %dma_wait3A = arith.constant 0 : i32
      %dma_wait3A_25 = arith.constant 0 : i32
      %dma_wait3A_26 = tpu.memref_slice %arg2[%add3A, %dma_wait3A, %dma_wait3A_25] : memref<32x80x128xi32, #tpu.memory_space<hbm>> -> memref<1x80x128xi32, #tpu.memory_space<hbm>>
      %dma_wait3A_27 = tpu.memref_squeeze %dma_wait3A_26 : memref<1x80x128xi32, #tpu.memory_space<hbm>> -> memref<80x128xi32, #tpu.memory_space<hbm>>
      %dma_wait3A_28 = arith.constant 0 : i32
      %dma_wait3A_29 = arith.constant 0 : i32
      %dma_wait3A_30 = tpu.memref_slice %arg2[%add3A, %dma_wait3A_28, %dma_wait3A_29] : memref<32x80x128xi32, #tpu.memory_space<hbm>> -> memref<1x80x128xi32, #tpu.memory_space<hbm>>
      %dma_wait3A_31 = tpu.memref_squeeze %dma_wait3A_30 : memref<1x80x128xi32, #tpu.memory_space<hbm>> -> memref<80x128xi32, #tpu.memory_space<hbm>>
      tpu.wait_dma2 semaphore(%run_scoped3A : memref<!tpu.dma_semaphore, #tpu.memory_space<semaphore_mem>>) src(%dma_wait3A_31 : memref<80x128xi32, #tpu.memory_space<hbm>>) dst(%arg6 : memref<80x128xi32, #tpu.memory_space<vmem>>)
      tpu.yield
    }) : () -> ()
    %barrier3A = arith.constant 0 : index
    tpu.barrier barrier_id(%barrier3A)
    %scan3A = arith.constant 0 : i32
    %scan3A_3 = arith.constant 0 : i32
    %scan3A_4 = arith.constant 80 : i32
    %scan3A_5 = arith.addi %scan3A_3, %scan3A_4 : i32
    %scan3A_6 = arith.constant 1 : i32
    scf.for %scan3A_18 = %scan3A_3 to %scan3A_5 step %scan3A_6  : i32 {
      %dma_start3A = arith.constant 0 : i32
      %dma_start3A_19 = tpu.memref_slice %arg6[%scan3A_18, %dma_start3A] : memref<80x128xi32, #tpu.memory_space<vmem>> -> memref<1x128xi32, #tpu.memory_space<vmem>>
      %dma_start3A_20 = tpu.memref_squeeze %dma_start3A_19 : memref<1x128xi32, #tpu.memory_space<vmem>> -> memref<128xi32, #tpu.memory_space<vmem>>
      %dma_start3A_21 = arith.constant 0 : i32
      %dma_start3A_22 = tpu.memref_slice %arg8[%dma_start3A_21] : memref<10240xf32, #tpu.memory_space<vmem_shared>> -> memref<10240xf32, #tpu.memory_space<vmem_shared>>
      tpu.enqueue_indirect_dma source(%arg7 : memref<128xf32, #tpu.memory_space<vmem>>) target(%dma_start3A_22 : memref<10240xf32, #tpu.memory_space<vmem_shared>>) offsets(%dma_start3A_20 : memref<128xi32, #tpu.memory_space<vmem>>) semaphore(%arg9 : memref<!tpu.dma_semaphore, #tpu.memory_space<semaphore_mem>>) {add = true}
      %ge3A = arith.constant 8 : i32
      %ge3A_23 = arith.cmpi sge, %scan3A_18, %ge3A : i32
      %convert_element_type3A = arith.extui %ge3A_23 : i1 to i32
      %cond3A = arith.constant 0 : i32
      %cond3A_24 = arith.cmpi ne, %convert_element_type3A, %cond3A : i32
      scf.if %cond3A_24 {
        %dma_wait3A = arith.constant 0 : i32
        %dma_wait3A_25 = arith.constant 0 : i32
        %dma_wait3A_26 = tpu.memref_slice %arg6[%dma_wait3A, %dma_wait3A_25] : memref<80x128xi32, #tpu.memory_space<vmem>> -> memref<1x128xi32, #tpu.memory_space<vmem>>
        %dma_wait3A_27 = tpu.memref_squeeze %dma_wait3A_26 : memref<1x128xi32, #tpu.memory_space<vmem>> -> memref<128xi32, #tpu.memory_space<vmem>>
        %dma_wait3A_28 = arith.constant 0 : i32
        %dma_wait3A_29 = tpu.memref_slice %arg8[%dma_wait3A_28] : memref<10240xf32, #tpu.memory_space<vmem_shared>> -> memref<10240xf32, #tpu.memory_space<vmem_shared>>
        tpu.wait_indirect_dma semaphore(%arg9 : memref<!tpu.dma_semaphore, #tpu.memory_space<semaphore_mem>>) src(%arg7 : memref<128xf32, #tpu.memory_space<vmem>>) dst(%dma_wait3A_29 : memref<10240xf32, #tpu.memory_space<vmem_shared>>)
      } else {
      }
    }
    %scan3A_7 = arith.constant 80 : i32
    %scan3A_8 = arith.constant 0 : i32
    %scan3A_9 = arith.constant 0 : i32
    %scan3A_10 = arith.constant 8 : i32
    %scan3A_11 = arith.addi %scan3A_9, %scan3A_10 : i32
    %scan3A_12 = arith.constant 1 : i32
    scf.for %scan3A_18 = %scan3A_9 to %scan3A_11 step %scan3A_12  : i32 {
      %dma_wait3A = arith.constant 0 : i32
      %dma_wait3A_19 = arith.constant 0 : i32
      %dma_wait3A_20 = tpu.memref_slice %arg6[%dma_wait3A, %dma_wait3A_19] : memref<80x128xi32, #tpu.memory_space<vmem>> -> memref<1x128xi32, #tpu.memory_space<vmem>>
      %dma_wait3A_21 = tpu.memref_squeeze %dma_wait3A_20 : memref<1x128xi32, #tpu.memory_space<vmem>> -> memref<128xi32, #tpu.memory_space<vmem>>
      %dma_wait3A_22 = arith.constant 0 : i32
      %dma_wait3A_23 = tpu.memref_slice %arg8[%dma_wait3A_22] : memref<10240xf32, #tpu.memory_space<vmem_shared>> -> memref<10240xf32, #tpu.memory_space<vmem_shared>>
      tpu.wait_indirect_dma semaphore(%arg9 : memref<!tpu.dma_semaphore, #tpu.memory_space<semaphore_mem>>) src(%arg7 : memref<128xf32, #tpu.memory_space<vmem>>) dst(%dma_wait3A_23 : memref<10240xf32, #tpu.memory_space<vmem_shared>>)
    }
    %scan3A_13 = arith.constant 8 : i32
    %barrier3A_14 = arith.constant 0 : index
    tpu.barrier barrier_id(%barrier3A_14)
    %mul3A_15 = arith.constant 10240 : i32
    %mul3A_16 = arith.muli %arg0, %mul3A_15 : i32
    %add3A_17 = arith.addi %mul3A_16, %multiple_of3A : i32
    "tpu.region"() ({
      %run_scoped3A = tpu.sem_alloc : memref<!tpu.dma_semaphore, #tpu.memory_space<semaphore_mem>>
      %dma_start3A = tpu.memref_slice %arg5[%add3A_17] : memref<20480xf32, #tpu.memory_space<hbm>> -> memref<640xf32, #tpu.memory_space<hbm>>
      %dma_start3A_18 = tpu.memref_slice %arg8[%multiple_of3A] : memref<10240xf32, #tpu.memory_space<vmem_shared>> -> memref<640xf32, #tpu.memory_space<vmem_shared>>
      tpu.enqueue_dma source(%dma_start3A_18 : memref<640xf32, #tpu.memory_space<vmem_shared>>) target(%dma_start3A : memref<640xf32, #tpu.memory_space<hbm>>) target_semaphore(%run_scoped3A : memref<!tpu.dma_semaphore, #tpu.memory_space<semaphore_mem>>)
      %dma_wait3A = tpu.memref_slice %arg5[%add3A_17] : memref<20480xf32, #tpu.memory_space<hbm>> -> memref<640xf32, #tpu.memory_space<hbm>>
      %dma_wait3A_19 = tpu.memref_slice %arg8[%multiple_of3A] : memref<10240xf32, #tpu.memory_space<vmem_shared>> -> memref<640xf32, #tpu.memory_space<vmem_shared>>
      tpu.wait_dma2 semaphore(%run_scoped3A : memref<!tpu.dma_semaphore, #tpu.memory_space<semaphore_mem>>) src(%dma_wait3A_19 : memref<640xf32, #tpu.memory_space<vmem_shared>>) dst(%dma_wait3A : memref<640xf32, #tpu.memory_space<hbm>>)
      tpu.yield
    }) : () -> ()
    return
  }
}

#map = affine_map<(d0, d1) -> (0)>
#map1 = affine_map<(d0, d1) -> (0, 0)>
module attributes {stable_mosaic.version = 14 : i64} {
  func.func @_sc_agg(%arg0: i32, %arg1: i32, %arg2: memref<327680xi32, #tpu.memory_space<hbm>>, %arg3: memref<327680xi32, #tpu.memory_space<hbm>>, %arg4: memref<10240x128xf32, #tpu.memory_space<hbm>>, %arg5: memref<10240x128xf32, #tpu.memory_space<hbm>>, %arg6: memref<20480x128xf32, #tpu.memory_space<hbm>>, %arg7: memref<128xi32, #tpu.memory_space<vmem>>, %arg8: memref<128xi32, #tpu.memory_space<vmem>>, %arg9: memref<128xi32, #tpu.memory_space<vmem>>, %arg10: memref<128xi32, #tpu.memory_space<vmem>>, %arg11: memref<128x128xf32, #tpu.memory_space<vmem>>, %arg12: memref<128x128xf32, #tpu.memory_space<vmem>>, %arg13: memref<10240x128xf32, #tpu.memory_space<vmem_shared>>, %arg14: memref<!tpu.dma_semaphore, #tpu.memory_space<semaphore_mem>>, %arg15: memref<!tpu.dma_semaphore, #tpu.memory_space<semaphore_mem>>, %arg16: memref<!tpu.dma_semaphore, #tpu.memory_space<semaphore_mem>>, %arg17: memref<!tpu.dma_semaphore, #tpu.memory_space<semaphore_mem>>, %arg18: memref<!tpu.dma_semaphore, #tpu.memory_space<semaphore_mem>>, %arg19: memref<!tpu.dma_semaphore, #tpu.memory_space<semaphore_mem>>) attributes {dimension_semantics = [#tpu.dimension_semantics<core_parallel>, #tpu.dimension_semantics<subcore_parallel>], iteration_bounds = array<i64: 2, 16>, scalar_prefetch = 0 : i64, scratch_operands = 13 : i64, tpu.core_type = #tpu.core_type<sc_vector_subcore>, window_params = [{transform_indices = #map}, {transform_indices = #map}, {transform_indices = #map1}, {transform_indices = #map1}, {transform_indices = #map1}]} {
    %mul3A = arith.constant 16 : i32
    %mul3A_0 = arith.muli %arg0, %mul3A : i32
    %add3A = arith.addi %mul3A_0, %arg1 : i32
    %mul3A_1 = arith.constant 10240 : i32
    %mul3A_2 = arith.muli %add3A, %mul3A_1 : i32
    %mul3A_3 = arith.constant 640 : i32
    %mul3A_4 = arith.muli %arg1, %mul3A_3 : i32
    %multiple_of3A = tpu.assume_multiple %mul3A_4, 8 : i32
    "tpu.region"() ({
      %run_scoped3A = tpu.sem_alloc : memref<!tpu.dma_semaphore, #tpu.memory_space<semaphore_mem>>
      %dma_start3A_39 = arith.constant 0 : i32
      %dma_start3A_40 = tpu.memref_slice %arg13[%multiple_of3A, %dma_start3A_39] : memref<10240x128xf32, #tpu.memory_space<vmem_shared>> -> memref<640x128xf32, #tpu.memory_space<vmem_shared>>
      %dma_start3A_41 = arith.constant 0 : i32
      %dma_start3A_42 = tpu.memref_slice %arg5[%multiple_of3A, %dma_start3A_41] : memref<10240x128xf32, #tpu.memory_space<hbm>> -> memref<640x128xf32, #tpu.memory_space<hbm>>
      tpu.enqueue_dma source(%dma_start3A_42 : memref<640x128xf32, #tpu.memory_space<hbm>>) target(%dma_start3A_40 : memref<640x128xf32, #tpu.memory_space<vmem_shared>>) target_semaphore(%run_scoped3A : memref<!tpu.dma_semaphore, #tpu.memory_space<semaphore_mem>>)
      %dma_wait3A_43 = arith.constant 0 : i32
      %dma_wait3A_44 = tpu.memref_slice %arg13[%multiple_of3A, %dma_wait3A_43] : memref<10240x128xf32, #tpu.memory_space<vmem_shared>> -> memref<640x128xf32, #tpu.memory_space<vmem_shared>>
      %dma_wait3A_45 = arith.constant 0 : i32
      %dma_wait3A_46 = tpu.memref_slice %arg5[%multiple_of3A, %dma_wait3A_45] : memref<10240x128xf32, #tpu.memory_space<hbm>> -> memref<640x128xf32, #tpu.memory_space<hbm>>
      tpu.wait_dma2 semaphore(%run_scoped3A : memref<!tpu.dma_semaphore, #tpu.memory_space<semaphore_mem>>) src(%dma_wait3A_46 : memref<640x128xf32, #tpu.memory_space<hbm>>) dst(%dma_wait3A_44 : memref<640x128xf32, #tpu.memory_space<vmem_shared>>)
      tpu.yield
    }) : () -> ()
    %barrier3A = arith.constant 0 : index
    tpu.barrier barrier_id(%barrier3A)
    %add3A_5 = arith.constant 0 : i32
    %add3A_6 = arith.addi %mul3A_2, %add3A_5 : i32
    %multiple_of3A_7 = tpu.assume_multiple %add3A_6, 8 : i32
    %dma_start3A = tpu.memref_slice %arg2[%multiple_of3A_7] : memref<327680xi32, #tpu.memory_space<hbm>> -> memref<128xi32, #tpu.memory_space<hbm>>
    %dma_start3A_8 = tpu.memref_slice %arg2[%multiple_of3A_7] : memref<327680xi32, #tpu.memory_space<hbm>> -> memref<128xi32, #tpu.memory_space<hbm>>
    tpu.enqueue_dma source(%dma_start3A_8 : memref<128xi32, #tpu.memory_space<hbm>>) target(%arg7 : memref<128xi32, #tpu.memory_space<vmem>>) target_semaphore(%arg14 : memref<!tpu.dma_semaphore, #tpu.memory_space<semaphore_mem>>)
    %add3A_9 = arith.constant 0 : i32
    %add3A_10 = arith.addi %mul3A_2, %add3A_9 : i32
    %multiple_of3A_11 = tpu.assume_multiple %add3A_10, 8 : i32
    %dma_start3A_12 = tpu.memref_slice %arg3[%multiple_of3A_11] : memref<327680xi32, #tpu.memory_space<hbm>> -> memref<128xi32, #tpu.memory_space<hbm>>
    %dma_start3A_13 = tpu.memref_slice %arg3[%multiple_of3A_11] : memref<327680xi32, #tpu.memory_space<hbm>> -> memref<128xi32, #tpu.memory_space<hbm>>
    tpu.enqueue_dma source(%dma_start3A_13 : memref<128xi32, #tpu.memory_space<hbm>>) target(%arg9 : memref<128xi32, #tpu.memory_space<vmem>>) target_semaphore(%arg16 : memref<!tpu.dma_semaphore, #tpu.memory_space<semaphore_mem>>)
    %add3A_14 = arith.constant 128 : i32
    %add3A_15 = arith.addi %mul3A_2, %add3A_14 : i32
    %multiple_of3A_16 = tpu.assume_multiple %add3A_15, 8 : i32
    %dma_start3A_17 = tpu.memref_slice %arg2[%multiple_of3A_16] : memref<327680xi32, #tpu.memory_space<hbm>> -> memref<128xi32, #tpu.memory_space<hbm>>
    %dma_start3A_18 = tpu.memref_slice %arg2[%multiple_of3A_16] : memref<327680xi32, #tpu.memory_space<hbm>> -> memref<128xi32, #tpu.memory_space<hbm>>
    tpu.enqueue_dma source(%dma_start3A_18 : memref<128xi32, #tpu.memory_space<hbm>>) target(%arg8 : memref<128xi32, #tpu.memory_space<vmem>>) target_semaphore(%arg15 : memref<!tpu.dma_semaphore, #tpu.memory_space<semaphore_mem>>)
    %add3A_19 = arith.constant 128 : i32
    %add3A_20 = arith.addi %mul3A_2, %add3A_19 : i32
    %multiple_of3A_21 = tpu.assume_multiple %add3A_20, 8 : i32
    %dma_start3A_22 = tpu.memref_slice %arg3[%multiple_of3A_21] : memref<327680xi32, #tpu.memory_space<hbm>> -> memref<128xi32, #tpu.memory_space<hbm>>
    %dma_start3A_23 = tpu.memref_slice %arg3[%multiple_of3A_21] : memref<327680xi32, #tpu.memory_space<hbm>> -> memref<128xi32, #tpu.memory_space<hbm>>
    tpu.enqueue_dma source(%dma_start3A_23 : memref<128xi32, #tpu.memory_space<hbm>>) target(%arg10 : memref<128xi32, #tpu.memory_space<vmem>>) target_semaphore(%arg17 : memref<!tpu.dma_semaphore, #tpu.memory_space<semaphore_mem>>)
    %dma_wait3A = arith.constant 0 : i32
    %dma_wait3A_24 = tpu.memref_slice %arg2[%dma_wait3A] : memref<327680xi32, #tpu.memory_space<hbm>> -> memref<128xi32, #tpu.memory_space<hbm>>
    %dma_wait3A_25 = arith.constant 0 : i32
    %dma_wait3A_26 = tpu.memref_slice %arg2[%dma_wait3A_25] : memref<327680xi32, #tpu.memory_space<hbm>> -> memref<128xi32, #tpu.memory_space<hbm>>
    tpu.wait_dma2 semaphore(%arg14 : memref<!tpu.dma_semaphore, #tpu.memory_space<semaphore_mem>>) src(%dma_wait3A_26 : memref<128xi32, #tpu.memory_space<hbm>>) dst(%arg7 : memref<128xi32, #tpu.memory_space<vmem>>)
    %dma_start3A_27 = arith.constant 0 : i32
    %dma_start3A_28 = arith.constant 0 : i32
    %dma_start3A_29 = tpu.memref_slice %arg4[%dma_start3A_27, %dma_start3A_28] : memref<10240x128xf32, #tpu.memory_space<hbm>> -> memref<10240x128xf32, #tpu.memory_space<hbm>>
    tpu.enqueue_indirect_dma source(%dma_start3A_29 : memref<10240x128xf32, #tpu.memory_space<hbm>>) target(%arg11 : memref<128x128xf32, #tpu.memory_space<vmem>>) offsets(%arg7 : memref<128xi32, #tpu.memory_space<vmem>>) semaphore(%arg18 : memref<!tpu.dma_semaphore, #tpu.memory_space<semaphore_mem>>)
    %scan3A = arith.constant 0 : i32
    %scan3A_30 = arith.constant 0 : i32
    %scan3A_31 = arith.constant 40 : i32
    %scan3A_32 = arith.addi %scan3A_30, %scan3A_31 : i32
    %scan3A_33 = arith.constant 1 : i32
    scf.for %scan3A_39 = %scan3A_30 to %scan3A_32 step %scan3A_33  : i32 {
      %mul3A_40 = arith.constant 2 : i32
      %mul3A_41 = arith.muli %mul3A_40, %scan3A_39 : i32
      %add3A_42 = arith.constant 1 : i32
      %add3A_43 = arith.addi %mul3A_41, %add3A_42 : i32
      %ge3A = arith.constant 39 : i32
      %ge3A_44 = arith.cmpi sge, %scan3A_39, %ge3A : i32
      %dma_wait3A_45 = arith.constant 0 : i32
      %dma_wait3A_46 = tpu.memref_slice %arg2[%dma_wait3A_45] : memref<327680xi32, #tpu.memory_space<hbm>> -> memref<128xi32, #tpu.memory_space<hbm>>
      %dma_wait3A_47 = arith.constant 0 : i32
      %dma_wait3A_48 = tpu.memref_slice %arg2[%dma_wait3A_47] : memref<327680xi32, #tpu.memory_space<hbm>> -> memref<128xi32, #tpu.memory_space<hbm>>
      tpu.wait_dma2 semaphore(%arg15 : memref<!tpu.dma_semaphore, #tpu.memory_space<semaphore_mem>>) src(%dma_wait3A_48 : memref<128xi32, #tpu.memory_space<hbm>>) dst(%arg8 : memref<128xi32, #tpu.memory_space<vmem>>)
      %dma_start3A_49 = arith.constant 0 : i32
      %dma_start3A_50 = arith.constant 0 : i32
      %dma_start3A_51 = tpu.memref_slice %arg4[%dma_start3A_49, %dma_start3A_50] : memref<10240x128xf32, #tpu.memory_space<hbm>> -> memref<10240x128xf32, #tpu.memory_space<hbm>>
      tpu.enqueue_indirect_dma source(%dma_start3A_51 : memref<10240x128xf32, #tpu.memory_space<hbm>>) target(%arg12 : memref<128x128xf32, #tpu.memory_space<vmem>>) offsets(%arg8 : memref<128xi32, #tpu.memory_space<vmem>>) semaphore(%arg19 : memref<!tpu.dma_semaphore, #tpu.memory_space<semaphore_mem>>)
      %dma_wait3A_52 = arith.constant 0 : i32
      %dma_wait3A_53 = arith.constant 0 : i32
      %dma_wait3A_54 = tpu.memref_slice %arg4[%dma_wait3A_52, %dma_wait3A_53] : memref<10240x128xf32, #tpu.memory_space<hbm>> -> memref<10240x128xf32, #tpu.memory_space<hbm>>
      tpu.wait_indirect_dma semaphore(%arg18 : memref<!tpu.dma_semaphore, #tpu.memory_space<semaphore_mem>>) src(%dma_wait3A_54 : memref<10240x128xf32, #tpu.memory_space<hbm>>) dst(%arg11 : memref<128x128xf32, #tpu.memory_space<vmem>>)
      %not3A = arith.constant true
      %not3A_55 = arith.xori %ge3A_44, %not3A : i1
      %convert_element_type3A = arith.extui %not3A_55 : i1 to i32
      %cond3A = arith.constant 0 : i32
      %cond3A_56 = arith.cmpi ne, %convert_element_type3A, %cond3A : i32
      scf.if %cond3A_56 {
        %add3A_83 = arith.constant 2 : i32
        %add3A_84 = arith.addi %mul3A_41, %add3A_83 : i32
        %mul3A_85 = arith.constant 128 : i32
        %mul3A_86 = arith.muli %add3A_84, %mul3A_85 : i32
        %add3A_87 = arith.addi %mul3A_2, %mul3A_86 : i32
        %multiple_of3A_88 = tpu.assume_multiple %add3A_87, 8 : i32
        %dma_start3A_89 = tpu.memref_slice %arg2[%multiple_of3A_88] : memref<327680xi32, #tpu.memory_space<hbm>> -> memref<128xi32, #tpu.memory_space<hbm>>
        %dma_start3A_90 = tpu.memref_slice %arg2[%multiple_of3A_88] : memref<327680xi32, #tpu.memory_space<hbm>> -> memref<128xi32, #tpu.memory_space<hbm>>
        tpu.enqueue_dma source(%dma_start3A_90 : memref<128xi32, #tpu.memory_space<hbm>>) target(%arg7 : memref<128xi32, #tpu.memory_space<vmem>>) target_semaphore(%arg14 : memref<!tpu.dma_semaphore, #tpu.memory_space<semaphore_mem>>)
      } else {
      }
      %dma_wait3A_57 = arith.constant 0 : i32
      %dma_wait3A_58 = tpu.memref_slice %arg3[%dma_wait3A_57] : memref<327680xi32, #tpu.memory_space<hbm>> -> memref<128xi32, #tpu.memory_space<hbm>>
      %dma_wait3A_59 = arith.constant 0 : i32
      %dma_wait3A_60 = tpu.memref_slice %arg3[%dma_wait3A_59] : memref<327680xi32, #tpu.memory_space<hbm>> -> memref<128xi32, #tpu.memory_space<hbm>>
      tpu.wait_dma2 semaphore(%arg16 : memref<!tpu.dma_semaphore, #tpu.memory_space<semaphore_mem>>) src(%dma_wait3A_60 : memref<128xi32, #tpu.memory_space<hbm>>) dst(%arg9 : memref<128xi32, #tpu.memory_space<vmem>>)
      "tpu.region"() ({
        %run_scoped3A = tpu.sem_alloc : memref<!tpu.dma_semaphore, #tpu.memory_space<semaphore_mem>>
        %dma_start3A_83 = arith.constant 0 : i32
        %dma_start3A_84 = arith.constant 0 : i32
        %dma_start3A_85 = tpu.memref_slice %arg13[%dma_start3A_83, %dma_start3A_84] : memref<10240x128xf32, #tpu.memory_space<vmem_shared>> -> memref<10240x128xf32, #tpu.memory_space<vmem_shared>>
        tpu.enqueue_indirect_dma source(%arg11 : memref<128x128xf32, #tpu.memory_space<vmem>>) target(%dma_start3A_85 : memref<10240x128xf32, #tpu.memory_space<vmem_shared>>) offsets(%arg9 : memref<128xi32, #tpu.memory_space<vmem>>) semaphore(%run_scoped3A : memref<!tpu.dma_semaphore, #tpu.memory_space<semaphore_mem>>) {add = true}
        %dma_wait3A_86 = arith.constant 0 : i32
        %dma_wait3A_87 = arith.constant 0 : i32
        %dma_wait3A_88 = tpu.memref_slice %arg13[%dma_wait3A_86, %dma_wait3A_87] : memref<10240x128xf32, #tpu.memory_space<vmem_shared>> -> memref<10240x128xf32, #tpu.memory_space<vmem_shared>>
        tpu.wait_indirect_dma semaphore(%run_scoped3A : memref<!tpu.dma_semaphore, #tpu.memory_space<semaphore_mem>>) src(%arg11 : memref<128x128xf32, #tpu.memory_space<vmem>>) dst(%dma_wait3A_88 : memref<10240x128xf32, #tpu.memory_space<vmem_shared>>)
        tpu.yield
      }) : () -> ()
      %not3A_61 = arith.constant true
      %not3A_62 = arith.xori %ge3A_44, %not3A_61 : i1
      %convert_element_type3A_63 = arith.extui %not3A_62 : i1 to i32
      %cond3A_64 = arith.constant 0 : i32
      %cond3A_65 = arith.cmpi ne, %convert_element_type3A_63, %cond3A_64 : i32
      scf.if %cond3A_65 {
        %add3A_83 = arith.constant 2 : i32
        %add3A_84 = arith.addi %mul3A_41, %add3A_83 : i32
        %mul3A_85 = arith.constant 128 : i32
        %mul3A_86 = arith.muli %add3A_84, %mul3A_85 : i32
        %add3A_87 = arith.addi %mul3A_2, %mul3A_86 : i32
        %multiple_of3A_88 = tpu.assume_multiple %add3A_87, 8 : i32
        %dma_start3A_89 = tpu.memref_slice %arg3[%multiple_of3A_88] : memref<327680xi32, #tpu.memory_space<hbm>> -> memref<128xi32, #tpu.memory_space<hbm>>
        %dma_start3A_90 = tpu.memref_slice %arg3[%multiple_of3A_88] : memref<327680xi32, #tpu.memory_space<hbm>> -> memref<128xi32, #tpu.memory_space<hbm>>
        tpu.enqueue_dma source(%dma_start3A_90 : memref<128xi32, #tpu.memory_space<hbm>>) target(%arg9 : memref<128xi32, #tpu.memory_space<vmem>>) target_semaphore(%arg16 : memref<!tpu.dma_semaphore, #tpu.memory_space<semaphore_mem>>)
        %dma_wait3A_91 = arith.constant 0 : i32
        %dma_wait3A_92 = tpu.memref_slice %arg2[%dma_wait3A_91] : memref<327680xi32, #tpu.memory_space<hbm>> -> memref<128xi32, #tpu.memory_space<hbm>>
        %dma_wait3A_93 = arith.constant 0 : i32
        %dma_wait3A_94 = tpu.memref_slice %arg2[%dma_wait3A_93] : memref<327680xi32, #tpu.memory_space<hbm>> -> memref<128xi32, #tpu.memory_space<hbm>>
        tpu.wait_dma2 semaphore(%arg14 : memref<!tpu.dma_semaphore, #tpu.memory_space<semaphore_mem>>) src(%dma_wait3A_94 : memref<128xi32, #tpu.memory_space<hbm>>) dst(%arg7 : memref<128xi32, #tpu.memory_space<vmem>>)
        %dma_start3A_95 = arith.constant 0 : i32
        %dma_start3A_96 = arith.constant 0 : i32
        %dma_start3A_97 = tpu.memref_slice %arg4[%dma_start3A_95, %dma_start3A_96] : memref<10240x128xf32, #tpu.memory_space<hbm>> -> memref<10240x128xf32, #tpu.memory_space<hbm>>
        tpu.enqueue_indirect_dma source(%dma_start3A_97 : memref<10240x128xf32, #tpu.memory_space<hbm>>) target(%arg11 : memref<128x128xf32, #tpu.memory_space<vmem>>) offsets(%arg7 : memref<128xi32, #tpu.memory_space<vmem>>) semaphore(%arg18 : memref<!tpu.dma_semaphore, #tpu.memory_space<semaphore_mem>>)
      } else {
      }
      %dma_wait3A_66 = arith.constant 0 : i32
      %dma_wait3A_67 = arith.constant 0 : i32
      %dma_wait3A_68 = tpu.memref_slice %arg4[%dma_wait3A_66, %dma_wait3A_67] : memref<10240x128xf32, #tpu.memory_space<hbm>> -> memref<10240x128xf32, #tpu.memory_space<hbm>>
      tpu.wait_indirect_dma semaphore(%arg19 : memref<!tpu.dma_semaphore, #tpu.memory_space<semaphore_mem>>) src(%dma_wait3A_68 : memref<10240x128xf32, #tpu.memory_space<hbm>>) dst(%arg12 : memref<128x128xf32, #tpu.memory_space<vmem>>)
      %not3A_69 = arith.constant true
      %not3A_70 = arith.xori %ge3A_44, %not3A_69 : i1
      %convert_element_type3A_71 = arith.extui %not3A_70 : i1 to i32
      %cond3A_72 = arith.constant 0 : i32
      %cond3A_73 = arith.cmpi ne, %convert_element_type3A_71, %cond3A_72 : i32
      scf.if %cond3A_73 {
        %add3A_83 = arith.constant 2 : i32
        %add3A_84 = arith.addi %add3A_43, %add3A_83 : i32
        %mul3A_85 = arith.constant 128 : i32
        %mul3A_86 = arith.muli %add3A_84, %mul3A_85 : i32
        %add3A_87 = arith.addi %mul3A_2, %mul3A_86 : i32
        %multiple_of3A_88 = tpu.assume_multiple %add3A_87, 8 : i32
        %dma_start3A_89 = tpu.memref_slice %arg2[%multiple_of3A_88] : memref<327680xi32, #tpu.memory_space<hbm>> -> memref<128xi32, #tpu.memory_space<hbm>>
        %dma_start3A_90 = tpu.memref_slice %arg2[%multiple_of3A_88] : memref<327680xi32, #tpu.memory_space<hbm>> -> memref<128xi32, #tpu.memory_space<hbm>>
        tpu.enqueue_dma source(%dma_start3A_90 : memref<128xi32, #tpu.memory_space<hbm>>) target(%arg8 : memref<128xi32, #tpu.memory_space<vmem>>) target_semaphore(%arg15 : memref<!tpu.dma_semaphore, #tpu.memory_space<semaphore_mem>>)
      } else {
      }
      %dma_wait3A_74 = arith.constant 0 : i32
      %dma_wait3A_75 = tpu.memref_slice %arg3[%dma_wait3A_74] : memref<327680xi32, #tpu.memory_space<hbm>> -> memref<128xi32, #tpu.memory_space<hbm>>
      %dma_wait3A_76 = arith.constant 0 : i32
      %dma_wait3A_77 = tpu.memref_slice %arg3[%dma_wait3A_76] : memref<327680xi32, #tpu.memory_space<hbm>> -> memref<128xi32, #tpu.memory_space<hbm>>
      tpu.wait_dma2 semaphore(%arg17 : memref<!tpu.dma_semaphore, #tpu.memory_space<semaphore_mem>>) src(%dma_wait3A_77 : memref<128xi32, #tpu.memory_space<hbm>>) dst(%arg10 : memref<128xi32, #tpu.memory_space<vmem>>)
      "tpu.region"() ({
        %run_scoped3A = tpu.sem_alloc : memref<!tpu.dma_semaphore, #tpu.memory_space<semaphore_mem>>
        %dma_start3A_83 = arith.constant 0 : i32
        %dma_start3A_84 = arith.constant 0 : i32
        %dma_start3A_85 = tpu.memref_slice %arg13[%dma_start3A_83, %dma_start3A_84] : memref<10240x128xf32, #tpu.memory_space<vmem_shared>> -> memref<10240x128xf32, #tpu.memory_space<vmem_shared>>
        tpu.enqueue_indirect_dma source(%arg12 : memref<128x128xf32, #tpu.memory_space<vmem>>) target(%dma_start3A_85 : memref<10240x128xf32, #tpu.memory_space<vmem_shared>>) offsets(%arg10 : memref<128xi32, #tpu.memory_space<vmem>>) semaphore(%run_scoped3A : memref<!tpu.dma_semaphore, #tpu.memory_space<semaphore_mem>>) {add = true}
        %dma_wait3A_86 = arith.constant 0 : i32
        %dma_wait3A_87 = arith.constant 0 : i32
        %dma_wait3A_88 = tpu.memref_slice %arg13[%dma_wait3A_86, %dma_wait3A_87] : memref<10240x128xf32, #tpu.memory_space<vmem_shared>> -> memref<10240x128xf32, #tpu.memory_space<vmem_shared>>
        tpu.wait_indirect_dma semaphore(%run_scoped3A : memref<!tpu.dma_semaphore, #tpu.memory_space<semaphore_mem>>) src(%arg12 : memref<128x128xf32, #tpu.memory_space<vmem>>) dst(%dma_wait3A_88 : memref<10240x128xf32, #tpu.memory_space<vmem_shared>>)
        tpu.yield
      }) : () -> ()
      %not3A_78 = arith.constant true
      %not3A_79 = arith.xori %ge3A_44, %not3A_78 : i1
      %convert_element_type3A_80 = arith.extui %not3A_79 : i1 to i32
      %cond3A_81 = arith.constant 0 : i32
      %cond3A_82 = arith.cmpi ne, %convert_element_type3A_80, %cond3A_81 : i32
      scf.if %cond3A_82 {
        %add3A_83 = arith.constant 2 : i32
        %add3A_84 = arith.addi %add3A_43, %add3A_83 : i32
        %mul3A_85 = arith.constant 128 : i32
        %mul3A_86 = arith.muli %add3A_84, %mul3A_85 : i32
        %add3A_87 = arith.addi %mul3A_2, %mul3A_86 : i32
        %multiple_of3A_88 = tpu.assume_multiple %add3A_87, 8 : i32
        %dma_start3A_89 = tpu.memref_slice %arg3[%multiple_of3A_88] : memref<327680xi32, #tpu.memory_space<hbm>> -> memref<128xi32, #tpu.memory_space<hbm>>
        %dma_start3A_90 = tpu.memref_slice %arg3[%multiple_of3A_88] : memref<327680xi32, #tpu.memory_space<hbm>> -> memref<128xi32, #tpu.memory_space<hbm>>
        tpu.enqueue_dma source(%dma_start3A_90 : memref<128xi32, #tpu.memory_space<hbm>>) target(%arg10 : memref<128xi32, #tpu.memory_space<vmem>>) target_semaphore(%arg17 : memref<!tpu.dma_semaphore, #tpu.memory_space<semaphore_mem>>)
      } else {
      }
    }
    %scan3A_34 = arith.constant 40 : i32
    %barrier3A_35 = arith.constant 0 : index
    tpu.barrier barrier_id(%barrier3A_35)
    %mul3A_36 = arith.constant 10240 : i32
    %mul3A_37 = arith.muli %arg0, %mul3A_36 : i32
    %add3A_38 = arith.addi %mul3A_37, %multiple_of3A : i32
    "tpu.region"() ({
      %run_scoped3A = tpu.sem_alloc : memref<!tpu.dma_semaphore, #tpu.memory_space<semaphore_mem>>
      %dma_start3A_39 = arith.constant 0 : i32
      %dma_start3A_40 = tpu.memref_slice %arg6[%add3A_38, %dma_start3A_39] : memref<20480x128xf32, #tpu.memory_space<hbm>> -> memref<640x128xf32, #tpu.memory_space<hbm>>
      %dma_start3A_41 = arith.constant 0 : i32
      %dma_start3A_42 = tpu.memref_slice %arg13[%multiple_of3A, %dma_start3A_41] : memref<10240x128xf32, #tpu.memory_space<vmem_shared>> -> memref<640x128xf32, #tpu.memory_space<vmem_shared>>
      tpu.enqueue_dma source(%dma_start3A_42 : memref<640x128xf32, #tpu.memory_space<vmem_shared>>) target(%dma_start3A_40 : memref<640x128xf32, #tpu.memory_space<hbm>>) target_semaphore(%run_scoped3A : memref<!tpu.dma_semaphore, #tpu.memory_space<semaphore_mem>>)
      %dma_wait3A_43 = arith.constant 0 : i32
      %dma_wait3A_44 = tpu.memref_slice %arg6[%add3A_38, %dma_wait3A_43] : memref<20480x128xf32, #tpu.memory_space<hbm>> -> memref<640x128xf32, #tpu.memory_space<hbm>>
      %dma_wait3A_45 = arith.constant 0 : i32
      %dma_wait3A_46 = tpu.memref_slice %arg13[%multiple_of3A, %dma_wait3A_45] : memref<10240x128xf32, #tpu.memory_space<vmem_shared>> -> memref<640x128xf32, #tpu.memory_space<vmem_shared>>
      tpu.wait_dma2 semaphore(%run_scoped3A : memref<!tpu.dma_semaphore, #tpu.memory_space<semaphore_mem>>) src(%dma_wait3A_46 : memref<640x128xf32, #tpu.memory_space<vmem_shared>>) dst(%dma_wait3A_44 : memref<640x128xf32, #tpu.memory_space<hbm>>)
      tpu.yield
    }) : () -> ()
    return
  }
}

module attributes {stable_mosaic.version = 14 : i64} {
  func.func @_tc_prescale_body(%arg0: memref<10000x1xf32, #tpu.memory_space<vmem>>, %arg1: memref<10000x1xf32, #tpu.memory_space<vmem>>, %arg2: memref<10000x128xf32, #tpu.memory_space<vmem>>, %arg3: memref<10240x128xf32, #tpu.memory_space<vmem>>) attributes {dimension_semantics = [], scalar_prefetch = 0 : i64, scratch_operands = 0 : i64, tpu.core_type = #tpu.core_type<tc>} {
    %get3A = arith.constant 0 : index
    %get3A_0 = arith.constant 0 : index
    %get3A_1 = vector.load %arg0[%get3A, %get3A_0] : memref<10000x1xf32, #tpu.memory_space<vmem>>, vector<10000x1xf32>
    %get3A_2 = arith.constant 0 : index
    %get3A_3 = arith.constant 0 : index
    %get3A_4 = vector.load %arg1[%get3A_2, %get3A_3] : memref<10000x1xf32, #tpu.memory_space<vmem>>, vector<10000x1xf32>
    %add3A = arith.addf %get3A_1, %get3A_4 : vector<10000x1xf32>
    %add3A_5 = arith.constant 1.000000e+00 : f32
    %add3A_6 = vector.broadcast %add3A_5 : f32 to vector<10000x1xf32>
    %add3A_7 = arith.addf %add3A, %add3A_6 : vector<10000x1xf32>
    %rsqrt3A = math.rsqrt %add3A_7 : vector<10000x1xf32>
    %get3A_8 = arith.constant 0 : index
    %get3A_9 = arith.constant 0 : index
    %get3A_10 = vector.load %arg2[%get3A_8, %get3A_9] : memref<10000x128xf32, #tpu.memory_space<vmem>>, vector<10000x128xf32>
    %mul3A = vector.broadcast %rsqrt3A : vector<10000x1xf32> to vector<10000x128xf32>
    %mul3A_11 = arith.mulf %get3A_10, %mul3A : vector<10000x128xf32>
    %swap3A = arith.constant 0 : index
    %swap3A_12 = arith.constant 0 : index
    %swap3A_13 = vector.load %arg3[%swap3A, %swap3A_12] : memref<10240x128xf32, #tpu.memory_space<vmem>>, vector<10000x128xf32>
    tpu.vector_store %arg3[%swap3A, %swap3A_12], %mul3A_11 {strides = array<i32>} : memref<10240x128xf32, #tpu.memory_space<vmem>>, vector<10000x128xf32>,
    %broadcast_in_dim3A = arith.constant 0.000000e+00 : f32
    %broadcast_in_dim3A_14 = vector.broadcast %broadcast_in_dim3A : f32 to vector<240x128xf32>
    %swap3A_15 = arith.constant 10000 : index
    %swap3A_16 = arith.constant 0 : index
    %swap3A_17 = vector.load %arg3[%swap3A_15, %swap3A_16] : memref<10240x128xf32, #tpu.memory_space<vmem>>, vector<240x128xf32>
    tpu.vector_store %arg3[%swap3A_15, %swap3A_16], %broadcast_in_dim3A_14 {strides = array<i32>} : memref<10240x128xf32, #tpu.memory_space<vmem>>, vector<240x128xf32>,
    return
  }
}

module attributes {stable_mosaic.version = 14 : i64} {
  func.func @_tc_final_body(%arg0: memref<20480x128xf32, #tpu.memory_space<vmem>>, %arg1: memref<10000x128xf32, #tpu.memory_space<vmem>>, %arg2: memref<10000x1xf32, #tpu.memory_space<vmem>>, %arg3: memref<10000x1xf32, #tpu.memory_space<vmem>>, %arg4: memref<128x128xf32, #tpu.memory_space<vmem>>, %arg5: memref<1x128xf32, #tpu.memory_space<vmem>>, %arg6: memref<10000x128xf32, #tpu.memory_space<vmem>>) attributes {dimension_semantics = [], scalar_prefetch = 0 : i64, scratch_operands = 0 : i64, tpu.core_type = #tpu.core_type<tc>} {
    %get3A = arith.constant 0 : index
    %get3A_0 = arith.constant 0 : index
    %get3A_1 = vector.load %arg2[%get3A, %get3A_0] : memref<10000x1xf32, #tpu.memory_space<vmem>>, vector<10000x1xf32>
    %get3A_2 = arith.constant 0 : index
    %get3A_3 = arith.constant 0 : index
    %get3A_4 = vector.load %arg3[%get3A_2, %get3A_3] : memref<10000x1xf32, #tpu.memory_space<vmem>>, vector<10000x1xf32>
    %add3A = arith.addf %get3A_1, %get3A_4 : vector<10000x1xf32>
    %add3A_5 = arith.constant 1.000000e+00 : f32
    %add3A_6 = vector.broadcast %add3A_5 : f32 to vector<10000x1xf32>
    %add3A_7 = arith.addf %add3A, %add3A_6 : vector<10000x1xf32>
    %rsqrt3A = math.rsqrt %add3A_7 : vector<10000x1xf32>
    %get3A_8 = arith.constant 0 : index
    %get3A_9 = arith.constant 0 : index
    %get3A_10 = vector.load %arg0[%get3A_8, %get3A_9] : memref<20480x128xf32, #tpu.memory_space<vmem>>, vector<10000x128xf32>
    %get3A_11 = arith.constant 10240 : index
    %get3A_12 = arith.constant 0 : index
    %get3A_13 = vector.load %arg0[%get3A_11, %get3A_12] : memref<20480x128xf32, #tpu.memory_space<vmem>>, vector<10000x128xf32>
    %add3A_14 = arith.addf %get3A_10, %get3A_13 : vector<10000x128xf32>
    %mul3A = vector.broadcast %rsqrt3A : vector<10000x1xf32> to vector<10000x128xf32>
    %mul3A_15 = arith.mulf %add3A_14, %mul3A : vector<10000x128xf32>
    %get3A_16 = arith.constant 0 : index
    %get3A_17 = arith.constant 0 : index
    %get3A_18 = vector.load %arg1[%get3A_16, %get3A_17] : memref<10000x128xf32, #tpu.memory_space<vmem>>, vector<10000x128xf32>
    %mul3A_19 = arith.mulf %rsqrt3A, %rsqrt3A : vector<10000x1xf32>
    %mul3A_20 = vector.broadcast %mul3A_19 : vector<10000x1xf32> to vector<10000x128xf32>
    %mul3A_21 = arith.mulf %get3A_18, %mul3A_20 : vector<10000x128xf32>
    %add3A_22 = arith.addf %mul3A_15, %mul3A_21 : vector<10000x128xf32>
    %get3A_23 = arith.constant 0 : index
    %get3A_24 = arith.constant 0 : index
    %get3A_25 = vector.load %arg4[%get3A_23, %get3A_24] : memref<128x128xf32, #tpu.memory_space<vmem>>, vector<128x128xf32>
    %dot_general3A = arith.constant dense<0.000000e+00> : vector<10000x128xf32>
    %dot_general3A_26 = tpu.matmul %add3A_22, %get3A_25, %dot_general3A {dimension_numbers = #tpu.dot_dimension_numbers<[1], [0], [0], [1], [0, 0, 1, 1], [], []>, transpose_lhs_hint = false} : vector<10000x128xf32>, vector<128x128xf32>, vector<10000x128xf32> -> vector<10000x128xf32>
    %get3A_27 = arith.constant 0 : index
    %get3A_28 = arith.constant 0 : index
    %get3A_29 = vector.load %arg5[%get3A_27, %get3A_28] : memref<1x128xf32, #tpu.memory_space<vmem>>, vector<1x128xf32>
    %add3A_30 = vector.broadcast %get3A_29 : vector<1x128xf32> to vector<10000x128xf32>
    %add3A_31 = arith.addf %dot_general3A_26, %add3A_30 : vector<10000x128xf32>
    %swap3A = arith.constant 0 : index
    %swap3A_32 = arith.constant 0 : index
    %swap3A_33 = vector.load %arg6[%swap3A, %swap3A_32] : memref<10000x128xf32, #tpu.memory_space<vmem>>, vector<10000x128xf32>
    tpu.vector_store %arg6[%swap3A, %swap3A_32], %add3A_31 {strides = array<i32>} : memref<10000x128xf32, #tpu.memory_space<vmem>>, vector<10000x128xf32>,
    return
  }
}

</mosaic_0001>

<sc_bundles>
// kernel: kernel.6.cloned.1.call-start
scs
__scs_entry_jumppad:
0x0: {  	(pc) =	sbr.rel $0x88, $3  }
0x1: {  	(tag) =	ssettag $0x0;
	lr =	simm.s32 $0x1  }
0x2: {  	[smem:$0x3F9B] =	sst lr;
	_ =	strace $0xD0000000  }
0x3: {  	_ = 	snop  }
0x4: {  	_ = 	snop  }
0x5: {  	_ = 	snop  }
0x6: {  	_ = 	snop  }
0x7: {  	_ = 	snop  }
__scs_overlays_trampoline_lowered:
0x8: {  	[smem:$0x3FAA] =	sst s0  }
0x9: {  	[smem:$0x3FAB] =	sst s1  }
0xa: {  	[smem:$0x3FAC] =	sst s2  }
0xb: {  	[smem:$0x3FAD] =	sst s3  }
0xc: {  	[smem:$0x3FAE] =	sst s4  }
0xd: {  	[smem:$0x3FAF] =	sst s5  }
0xe: {  	[smem:$0x3FB0] =	sst s6  }
0xf: {  	[smem:$0x3FB1] =	sst s7  }
0x10: {  	[smem:$0x3FB2] =	sst s8  }
0x11: {  	[smem:$0x3FB3] =	sst s9;
	s0 =	simm.s32 @!p0 $0x0  }
0x12: {  	s1 =	sld [smem:$0x3F99];
	s0 =	simm.s32 @p0 $0x1  }
0x13: {  	[smem:$0x3FB4] =	sst s0;
	s0 =	simm.s32 @!p1 $0x0  }
0x14: {  	s2 =	sld [smem:$0x3F98];
	s0 =	simm.s32 @p1 $0x1  }
0x15: {  	[smem:$0x3FB5] =	sst s0;
	s0 =	simm.s32 @!p2 $0x0  }
0x16: {  	s3 =	sld [smem:$0x3FDB];
	s0 =	simm.s32 @p2 $0x1  }
0x17: {  	s4 =	simm.s32 $0x1BF5;
	[smem:$0x3FB7] =	sst s0  }
0x18: {  	s0 =	sld [smem:$0x3F9A];
	_ =	swait.ge [sflag:s4], $0x0  }
0x19: {  	s7 =	sld [smem:$0x3F9B]  }
0x1a: {  	s8 =	sadd.s32 $0xFFFFE003, lr  }
0x1b: {  	s9 =	sadd.s32 $0xFFFFFEF7, lr;
	s5 =	simm.s32 $0xFFFFFFFF;
	p2 =	slt.u32 s8, $0xFFFFF086  }
0x1c: {  	p1 =	slt.u32 s9, $0xF7A;
	s5 =	simm.s32 @!p2 $0x0  }
0x1d: {  	s5 =	simm.s32 @p1 $0x1;
	p0 =	seq.s32 s7, s2  }
0x1e: {  	s7 =	smul.u32 @!p0 $0xF7A, s2;
	p2 =	seq.s32 @!p0 s5, $0x0  }
0x1f: {  	s9 =	smul.u32 $0xF7A, s1;
	s8 =	simm.s32 @!p0 $0x1BF5;
	p2 =	por !p2, p0  }
0x20: {  	[sflag:s8] =	ssyncset.s32 @!p0 $0xFFFFF086;
	s6 =	sadd.s32 @!p0 s3, s7;
	s7 =	simm.s32 @!p0 $0x108  }
0x21: {  	s3 =	sadd.s32 s3, s9;
	s6 =	sadd.s32 @!p0 $0x88, s6;
	s7 =	simm.s32 @p2 $0x1082  }
0x22: {  	[simem:s7], [sflag:s8] =	dma.local @!p0 [hbm:s6], $0xF7A  }
0x23: {  	s9 =	sor.u32 $0xD0000000, s2;
	s6 =	simm.s32 $0x108;
	_ =	swait.ge @!p0 [sflag:s8], $0x0  }
0x24: {  	s3 =	sadd.s32 $0x88, s3;
	s6 =	simm.s32 @!p1 $0x1082;
	[sflag:s4] =	ssyncset.s32 $0xFFFFF086  }
0x25: {  	[simem:s6], [sflag:s4] =	dma.local [hbm:s3], $0xF7A  }
0x26: {  	[smem:$0x3F9B] =	sst s1;
	(tag) =	ssettag s2;
	_ =	strace s9  }
0x27: {  	s1 =	sld [smem:$0x3FAB]  }
0x28: {  	s2 =	sld [smem:$0x3FAC]  }
0x29: {  	s4 =	sld [smem:$0x3FAE]  }
0x2a: {  	p0 =	seq.s32 s5, $0x0;
	s5 =	sld [smem:$0x3FAF]  }
0x2b: {  	s6 =	sld [smem:$0x3FB0]  }
0x2c: {  	s7 =	sld [smem:$0x3FB1]  }
0x2d: {  	s3 =	simm.s32 $0x108;
	s8 =	sld [smem:$0x3FB2]  }
0x2e: {  	s3 =	simm.s32 @!p0 $0x1082;
	s9 =	sld [smem:$0x3FB3]  }
0x2f: {  	lr =	sadd.s32 s0, s3;
	s0 =	sld [smem:$0x3FAA]  }
0x30: {  	s3 =	sld [smem:$0x3FAD]  }
0x31: {  	[smem:$0x3FB6] =	sst s10  }
0x32: {  	s10 =	sld [smem:$0x3FB4];
	_ =	sdelay $0x3  }
0x33: {  	p0 =	seq.s32 s10, $0x1;
	s10 =	sld [smem:$0x3FB6];
	_ =	sdelay $0x3  }
0x34: {  	[smem:$0x3FB6] =	sst s10  }
0x35: {  	s10 =	sld [smem:$0x3FB5];
	_ =	sdelay $0x3  }
0x36: {  	p1 =	seq.s32 s10, $0x1;
	s10 =	sld [smem:$0x3FB6];
	_ =	sdelay $0x3  }
0x37: {  	[smem:$0x3FB6] =	sst s10  }
0x38: {  	s10 =	sld [smem:$0x3FB7]  }
0x39: {  	_ = 	snop;
	(pc) =	sbr.ind lr, $3  }
0x3a: {  	_ = 	snop  }
0x3b: {  	_ = 	snop  }
0x3c: {  	p2 =	seq.s32 s10, $0x1;
	s10 =	sld [smem:$0x3FB6]  }
0x3d: {  	_ =	shalt  }
0x3e: {  	_ =	shalt  }
0x3f: {  	_ =	shalt  }
0x40: {  	_ =	shalt  }
0x41: {  	_ =	shalt  }
0x42: {  	_ =	shalt  }
0x43: {  	_ =	shalt  }
0x44: {  	_ =	shalt  }
0x45: {  	_ =	shalt  }
0x46: {  	_ =	shalt  }
0x47: {  	_ =	shalt  }
0x48: {  	_ =	shalt  }
0x49: {  	_ =	shalt  }
0x4a: {  	_ =	shalt  }
0x4b: {  	_ =	shalt  }
0x4c: {  	_ =	shalt  }
0x4d: {  	_ =	shalt  }
0x4e: {  	_ =	shalt  }
0x4f: {  	_ =	shalt  }
0x50: {  	_ =	shalt  }
0x51: {  	_ =	shalt  }
0x52: {  	_ =	shalt  }
0x53: {  	_ =	shalt  }
0x54: {  	_ =	shalt  }
0x55: {  	_ =	shalt  }
0x56: {  	_ =	shalt  }
0x57: {  	_ =	shalt  }
0x58: {  	_ =	shalt  }
0x59: {  	_ =	shalt  }
0x5a: {  	_ =	shalt  }
0x5b: {  	_ =	shalt  }
0x5c: {  	_ =	shalt  }
0x5d: {  	_ =	shalt  }
0x5e: {  	_ =	shalt  }
0x5f: {  	_ =	shalt  }
0x60: {  	_ =	shalt  }
0x61: {  	_ =	shalt  }
0x62: {  	_ =	shalt  }
0x63: {  	_ =	shalt  }
0x64: {  	_ =	shalt  }
0x65: {  	_ =	shalt  }
0x66: {  	_ =	shalt  }
0x67: {  	_ =	shalt  }
0x68: {  	_ =	shalt  }
0x69: {  	_ =	shalt  }
0x6a: {  	_ =	shalt  }
0x6b: {  	_ =	shalt  }
0x6c: {  	_ =	shalt  }
0x6d: {  	_ =	shalt  }
0x6e: {  	_ =	shalt  }
0x6f: {  	_ =	shalt  }
0x70: {  	_ =	shalt  }
0x71: {  	_ =	shalt  }
0x72: {  	_ =	shalt  }
0x73: {  	_ =	shalt  }
0x74: {  	_ =	shalt  }
0x75: {  	_ =	shalt  }
0x76: {  	_ =	shalt  }
0x77: {  	_ =	shalt  }
0x78: {  	_ =	shalt  }
0x79: {  	_ =	shalt  }
0x7a: {  	_ =	shalt  }
0x7b: {  	_ =	shalt  }
0x7c: {  	_ =	shalt  }
0x7d: {  	_ =	shalt  }
0x7e: {  	_ =	shalt  }
0x7f: {  	_ =	shalt  }
0x80: {  	_ =	shalt  }
0x81: {  	_ =	shalt  }
0x82: {  	_ =	shalt  }
0x83: {  	_ =	shalt  }
0x84: {  	_ =	shalt  }
0x85: {  	_ =	shalt  }
0x86: {  	_ =	shalt  }
0x87: {  	_ =	shalt  }
.Lfunc_end0:
.L_simem_size_0:
called_computation_lowered:
.L_overlay_start_0:
0x88: {  	s2 =	sld [smem:$0x3FD9]  }
0x89: {  	s3 =	sld [smem:$0x3FFE];
	_ =	sdelay $0x1  }
0x8a: {  	s1 =	srdreg.scid  }
0x8b: {  	s0 =	sand.u32 $0x1, s1  }
0x8c: {  	s14 =	sshll.u32 s0, $0xA;
	s2 =	sadd.s32 s3, s2  }
0x8d: {  	s2 =	sadd.s32 s2, s14  }
0x8e: {  	[smem:$0x3FC2] =	sst s2  }
0x8f: {  	_ = 	snop  }
0x90: {  	s2 =	sld [smem:$0x3FD0];
	_ =	sdelay $0x2  }
0x91: {  	s15 =	simm.s32 $0xA;
	s4 =	simm.s32 $0x10  }
0x92: {  	[smem:s4], [sflag:s15] =	dma.local [hbm:s2], $0x1  }
0x93: {  	_ =	swait.eq [sflag:s15], $0x1  }
0x94: {  	[sflag:s15] =	ssyncset.done $0x0  }
0x95: {  	[sflag:s15] =	ssyncadd.s32 $0xFFFFFFFF  }
0x96: {  	s16 =	sld [smem:$0x11];
	(tm) =	ssettm $0x1  }
0x97: {  	s17 =	sld [smem:$0x3FFB];
	_ =	sdelay $0x3  }
0x98: {  	_ =	strace s17  }
0x99: {  	s3 =	sld [smem:$0x3FFC];
	_ =	sdelay $0x3  }
0x9a: {  	_ =	strace s3  }
0x9b: {  	s3 =	sld [smem:$0x3FFD];
	_ =	sdelay $0x3  }
0x9c: {  	_ =	strace s3  }
0x9d: {  	_ =	strace $0x8FFFFFFF  }
0x9e: {  	s18 =	sld [smem:$0x3FDB];
	_ =	sdelay $0x1  }
0x9f: {  	s19 =	simm.s32 $_scs_section_size  }
0xa0: {  	s5 =	simm.s32 $_size__tile_overlayer_lowered;
	s6 =	simm.s32 $_tile_overlayer_lowered  }
0xa1: {  	s22 =	simm.s32 $0x1BFF;
	s21 =	sshll.u32 s6, $0x1;
	s3 =	sadd.s32 s19, s18  }
0xa2: {  	s7 =	simm.s32 $0x0;
	s20 =	sshll.u32 s5, $0x1;
	s5 =	sadd.s32 s21, s3  }
0xa3: {  	[timem:s7], [sflag:s22] =	dma.local [hbm:s5], s20  }
0xa4: {  	_ =	swait.ge [sflag:s22], s20  }
0xa5: {  	s4 =	ssub.s32 $0x0, s20;
	[sflag:s22] =	ssyncset.done $0x0  }
0xa6: {  	[sflag:s22] =	ssyncadd.s32 s4;
	_ =	sdelay $0x1  }
0xa7: {  	s23 =	simm.s32 $0x1B8B  }
0xa8: {  	_ =	swait.ge [sflag:s23], $0x1  }
0xa9: {  	[sflag:s23] =	ssyncset.done $0x0  }
0xaa: {  	s25 =	simm.s32 $0x1B8E;
	s24 =	sld [smem:$0x3FFE];
	[sflag:s23] =	ssyncadd.s32 $0xFFFFFFFF  }
0xab: {  	s26 =	simm.s32 $execute0_lowered;
	[smem:$0x3FD2] =	sst s25  }
0xac: {  	s5 =	sshll.u32 s26, $0x1;
	_ =	strace $0x80000046;
	[dreg:$0x1] =	wrdreg $0xFFFFFFFF  }
0xad: {  	s28 =	simm.s32 $_size_execute0_lowered;
	s3 =	sadd.s32 s3, s5;
	[dreg:$0x0] =	wrdreg $0x0  }
0xae: {  	s5 =	sshll.u32 s28, $0x1;
	[dreg:$0x2] =	wrdreg s3  }
0xaf: {  	[dreg:$0x3] =	wrdreg s5  }
0xb0: {  	[dreg:$0x4] =	wrdreg $0xC0  }
0xb1: {  	_ =	task [dreg:s7], $0x5FFFF  }
0xb2: {  	[dreg:$0x1] =	wrdreg $0xFFFFFFFF  }
0xb3: {  	[dreg:$0x0] =	wrdreg $0x60  }
0xb4: {  	[dreg:$0x2] =	wrdreg s16  }
0xb5: {  	[dreg:$0x3] =	wrdreg s24  }
0xb6: {  	[dreg:$0x4] =	wrdreg $0x28800  }
0xb7: {  	[dreg:$0x5] =	wrdreg $0x9  }
0xb8: {  	_ =	task.clear_ibuf [dreg:s7], $0x6FFFF;
	_ =	strace $0x90000046  }
0xb9: {  	s29 =	simm.s32 $0x9;
	_ =	strace $0x80000048  }
0xba: {  	_ =	swait.ge [sflag:s29], $0x1  }
0xbb: {  	[sflag:s29] =	ssyncadd.s32 $0xFFFFFFFF  }
0xbc: {  	_ =	strace $0x90000048  }
0xbd: {  	_ =	sfence  }
0xbe: {  	s30 =	sld [smem:$0x0];
	_ =	sdelay $0x2  }
0xbf: {  	s31 =	sshll.u32 s1, $0xD;
	s1 =	sshrl.u32 s1, $0x2  }
0xc0: {  	s3 =	sand.u32 $0x4000, s31;
	s1 =	sadd.s32 s1, s30  }
0xc1: {  	s0 =	sor.u32 s3, s0;
	s1 =	sshll.u32 s1, $0x11  }
0xc2: {  	s0 =	sor.u32 s1, s0  }
0xc3: {  	s0 =	sadd.s32 $0x8F2B, s0  }
0xc4: {  	[sflag:s0] =	ssyncadd.remote.s32 $0x1  }
0xc5: {  	_ =	sfence.sel $0xFFFF  }
0xc6: {  	[dreg:$0x0] =	wrdreg $0xFFFFFFFF;
	(pc) =	sbr.abs _section_cstart, $3  }
0xc7: {  	[dreg:$0x1] =	wrdreg $0xFFFFFFFF  }
0xc8: {  	_ =	task.clear_ibuf [dreg:s7], $0x2FFFF;
	_ =	strace $0x9FFFFFFF  }
0xc9: {  	(tm) =	ssettm $0x7FFFFFFF  }
tec
execute0_lowered:
.L_overlay_start_1:
0x0: {  	(tag) =	ssettag $0x1  }
0x1: {  	s7 =	rddreg [dreg:$0x0]  }
0x2: {  	s5 =	rddreg [dreg:$0x1]  }
0x3: {  	s2 =	rddreg [dreg:$0x2]  }
0x4: {  	s0 =	rddreg [dreg:$0x3]  }
0x5: {  	s1 =	stileid.u32;
	s4 =	srdreg.scid;
	s3 =	simm.s32 $0x0  }
0x6: {  	s14 =	simm.s32 $0x1;
	s15 =	simm.s32 $0x0;
	s6 =	smul.u32 $0x280, s1  }
0x7: {  	s8 =	sand.u32 $0x1, s4;
	[smem:$0x7FF] =	sst s3;
	s4 =	sadd.s32 $0x1E00, s5  }
0x8: {  	s12 =	sshll.u32 s1, $0x6;
	s9 =	smul.u32 $0x2800, s8;
	_ =	strace $0x80000047  }
0x9: {  	s11 =	ssub.s32 $0x2, s8;
	s8 =	sshll.u32 s8, $0x4;
	s10 =	sshrl.u32 s6, $0x3  }
0xa: {  	s31 =	sshrl.u32 s11, $0x1;
	s8 =	sor.u32 s1, s8;
	s13 =	sadd.s32 s6, s2  }
0xb: {  	s10 =	sadd.s32 s10, s5;
	s9 =	sadd.s32 s6, s9;
	s11 =	ssub.s32 s11, s31  }
0xc: {  	s8 =	smul.u32 $0x500, s8;
	s6 =	sor.u32 $0x1C02, s12;
	s9 =	sshrl.u32 s9, $0x3  }
0xd: {  	s12 =	simm.s32 $0x2800;
	s9 =	sadd.s32 s9, s5;
	s5 =	sadd.s32 $0x1800, s10  }
0xe: {  	s7 =	sadd.s32 s7, s8;
	s10 =	sshrl.u32 s13, $0x3;
	s13 =	simm.s32 $0x80  }
0xf: {  	s8 =	sadd.s32 $0x2000, s9;
	s9 =	smax.u32 s11, $0x1;
	s11 =	simm.s32 $0x2  }
.LBB2_1:
0x10: {  	[spmem:s10], [sflag:s6] =	dma.local [hbm:s5], $0x50  }
0x11: {  	_ =	swait.ge [sflag:s11], $0x50  }
0x12: {  	[sflag:s11] =	ssyncset.done $0x0  }
0x13: {  	[sflag:s11] =	ssyncadd.s32 $0xFFFFFFB0  }
0x14: {  	[tilespmem:s12], [sflag:$0x2] =	stream.linear.gather [hbm4b:s4+s3], $0x80, $0x38;
	[tilespmem:$0x2B00] =	vst v63  }
0x15: {  	_ =	swait.ge [sflag:s11], $0x80  }
0x16: {  	[sflag:s11] =	ssyncset.done $0x0  }
0x17: {  	[sflag:s11] =	ssyncadd.s32 $0xFFFFFF80  }
0x18: {  	[tilespmem:s3], [sflag:$0x2] =	stream.linear.gather [hbm4b:s7+s3], $0x2800, $0x38;
	[tilespmem:$0x2B00] =	vst v63  }
0x19: {  	_ =	swait.ge [sflag:s11], $0x2800  }
0x1a: {  	[sflag:s11] =	ssyncset.done $0x0  }
0x1b: {  	p0 =	por $0x1, $0x1;
	[sflag:s11] =	ssyncadd.s32 $0xFFFFD800  }
0x1c: {  	s18 =	simm.s32 @!p0 $0x1;
	[bflag:$0x0] =	sbarrier.arrive $0xFFFF  }
0x1d: {  	[spmem:s2] =	stream.indirect.scatter.add.f32 [tilespmem:s12], [sflag:$0x1], $0x1, s3, s13, $0xb8;
	[tilespmem:$0x2B00] =	vst v63  }
0x1e: {  	_ =	swait.ge @!p0 [sflag:s18], $0x80  }
0x1f: {  	s16 =	simm.s32 $0x1;
	s17 =	simm.s32 $0x0;
	[sflag:s18] =	ssyncset.done @!p0 $0x0  }
.LBB2_2:
0x20: {  	[sflag:s18] =	ssyncadd.s32 @!p0 $0xFFFFFF80  }
0x21: {  	s17 =	sadd.s32 $0x80, s17;
	s18 =	smov.u32 s16;
	s16 =	sadd.s32 $0x1, s16  }
0x22: {  	p1 =	sne.s32 s16, $0x50  }
0x23: {  	[spmem:s2] =	stream.indirect.scatter.add.f32 [tilespmem:s12], [sflag:$0x1], $0x1, s17, s13, $0xb8;
	[tilespmem:$0x2B00] =	vst v63  }
.Ltmp0:
0x24: {  	_ = 	snop;
	(pc) =	sbr.rel @p1 .LBB2_2-.Ltmp0, $4  }
0x25: {  	p0 =	slt.u32 s18, $0x8  }
0x26: {  	s18 =	simm.s32 @!p0 $0x1  }
0x27: {  	_ =	swait.ge @!p0 [sflag:s18], $0x80  }
0x28: {  	[sflag:s18] =	ssyncset.done @!p0 $0x0  }
0x29: {  	[sflag:s18] =	ssyncadd.s32 @!p0 $0xFFFFFF80  }
0x2a: {  	_ =	swait.ge [sflag:s14], $0x80  }
0x2b: {  	[sflag:s14] =	ssyncset.done $0x0  }
0x2c: {  	[sflag:s14] =	ssyncadd.s32 $0xFFFFFF80  }
0x2d: {  	_ =	swait.ge [sflag:s14], $0x80  }
0x2e: {  	[sflag:s14] =	ssyncset.done $0x0  }
0x2f: {  	[sflag:s14] =	ssyncadd.s32 $0xFFFFFF80  }
0x30: {  	_ =	swait.ge [sflag:s14], $0x80  }
0x31: {  	[sflag:s14] =	ssyncset.done $0x0  }
0x32: {  	[sflag:s14] =	ssyncadd.s32 $0xFFFFFF80  }
0x33: {  	_ =	swait.ge [sflag:s14], $0x80  }
0x34: {  	[sflag:s14] =	ssyncset.done $0x0  }
0x35: {  	[sflag:s14] =	ssyncadd.s32 $0xFFFFFF80  }
0x36: {  	_ =	swait.ge [sflag:s14], $0x80  }
0x37: {  	[sflag:s14] =	ssyncset.done $0x0  }
0x38: {  	[sflag:s14] =	ssyncadd.s32 $0xFFFFFF80  }
0x39: {  	_ =	swait.ge [sflag:s14], $0x80  }
0x3a: {  	[sflag:s14] =	ssyncset.done $0x0  }
0x3b: {  	[sflag:s14] =	ssyncadd.s32 $0xFFFFFF80  }
0x3c: {  	_ =	swait.ge [sflag:s14], $0x80  }
0x3d: {  	[sflag:s14] =	ssyncset.done $0x0  }
0x3e: {  	[sflag:s14] =	ssyncadd.s32 $0xFFFFFF80  }
0x3f: {  	_ =	swait.ge [sflag:s14], $0x80  }
0x40: {  	s15 =	sadd.s32 $0x1, s15;
	[sflag:s14] =	ssyncset.done $0x0  }
0x41: {  	p0 =	sne.s32 s15, s9;
	[sflag:s14] =	ssyncadd.s32 $0xFFFFFF80  }
.Ltmp1:
0x42: {  	[bflag:$0x0] =	sbarrier.arrive $0xFFFF;
	(pc) =	sbr.rel @p0 .LBB2_1-.Ltmp1, $4  }
0x43: {  	[hbm:s8], [sflag:s6] =	dma.local [spmem:s10], $0x50  }
0x44: {  	_ =	swait.ge [sflag:s11], $0x50  }
0x45: {  	[sflag:s11] =	ssyncset.done $0x0  }
0x46: {  	[sflag:s11] =	ssyncadd.s32 $0xFFFFFFB0  }
0x47: {  	_ =	sfence.sel $0x180000  }
0x48: {  	[bflag:$0x0] =	sbarrier.arrive $0xFFFF  }
0x49: {  	p0 =	sne.s32 s1, $0x0;
	_ =	strace $0x90000047  }
0x4a: {  	s0 =	sadd.s32 @!p0 $0x100000, s0;
	[bflag:$0x2] =	sbarrier.arrive $0xFFFF  }
0x4b: {  	[sflag:s0] =	ssyncadd.tile.s32 @!p0 $0x1;
	_ =	shalt  }
.Lfunc_end2:
_tile_overlayer_lowered:
.L_overlay_start_2:
0x4c: {  	(tag) =	ssettag $0x2  }
0x4d: {  	s0 =	rddreg [dreg:$0x0];
	s2 =	stileid.u32  }
0x4e: {  	s1 =	rddreg [dreg:$0x1];
	p0 =	sne.s32 s2, $0x0  }
0x4f: {  	s3 =	rddreg [dreg:$0x2];
	[bflag:$0x3] =	sbarrier.arrive $0xFFFF;
	s2 =	simm.s32 @!p0 $0x1C02  }
0x50: {  	[timem:s3], [sflag:s2] =	dma.local @!p0 [hbm:s0], s1  }
0x51: {  	s0 =	simm.s32 @!p0 $0x2  }
0x52: {  	_ =	swait.ge @!p0 [sflag:s0], s1  }
0x53: {  	s1 =	ssub.s32 @!p0 $0x0, s1;
	[sflag:s0] =	ssyncset.done @!p0 $0x0  }
0x54: {  	[sflag:s0] =	ssyncadd.s32 @!p0 s1  }
0x55: {  	[bflag:$0x3] =	sbarrier.arrive $0xFFFF  }
0x56: {  	_ =	shalt  }

// kernel: kernel.9.cloned.1.call-start
scs
__scs_entry_jumppad:
0x0: {  	(pc) =	sbr.rel $0x88, $3  }
0x1: {  	(tag) =	ssettag $0x0;
	lr =	simm.s32 $0x1  }
0x2: {  	[smem:$0x3F9B] =	sst lr;
	_ =	strace $0xD0000000  }
0x3: {  	_ = 	snop  }
0x4: {  	_ = 	snop  }
0x5: {  	_ = 	snop  }
0x6: {  	_ = 	snop  }
0x7: {  	_ = 	snop  }
__scs_overlays_trampoline_lowered:
0x8: {  	[smem:$0x3FAA] =	sst s0  }
0x9: {  	[smem:$0x3FAB] =	sst s1  }
0xa: {  	[smem:$0x3FAC] =	sst s2  }
0xb: {  	[smem:$0x3FAD] =	sst s3  }
0xc: {  	[smem:$0x3FAE] =	sst s4  }
0xd: {  	[smem:$0x3FAF] =	sst s5  }
0xe: {  	[smem:$0x3FB0] =	sst s6  }
0xf: {  	[smem:$0x3FB1] =	sst s7  }
0x10: {  	[smem:$0x3FB2] =	sst s8  }
0x11: {  	[smem:$0x3FB3] =	sst s9;
	s0 =	simm.s32 @!p0 $0x0  }
0x12: {  	s1 =	sld [smem:$0x3F99];
	s0 =	simm.s32 @p0 $0x1  }
0x13: {  	[smem:$0x3FB4] =	sst s0;
	s0 =	simm.s32 @!p1 $0x0  }
0x14: {  	s2 =	sld [smem:$0x3F98];
	s0 =	simm.s32 @p1 $0x1  }
0x15: {  	[smem:$0x3FB5] =	sst s0;
	s0 =	simm.s32 @!p2 $0x0  }
0x16: {  	s3 =	sld [smem:$0x3FDB];
	s0 =	simm.s32 @p2 $0x1  }
0x17: {  	s4 =	simm.s32 $0x1BF5;
	[smem:$0x3FB7] =	sst s0  }
0x18: {  	s0 =	sld [smem:$0x3F9A];
	_ =	swait.ge [sflag:s4], $0x0  }
0x19: {  	s7 =	sld [smem:$0x3F9B]  }
0x1a: {  	s8 =	sadd.s32 $0xFFFFE003, lr  }
0x1b: {  	s9 =	sadd.s32 $0xFFFFFEF7, lr;
	s5 =	simm.s32 $0xFFFFFFFF;
	p2 =	slt.u32 s8, $0xFFFFF086  }
0x1c: {  	p1 =	slt.u32 s9, $0xF7A;
	s5 =	simm.s32 @!p2 $0x0  }
0x1d: {  	s5 =	simm.s32 @p1 $0x1;
	p0 =	seq.s32 s7, s2  }
0x1e: {  	s7 =	smul.u32 @!p0 $0xF7A, s2;
	p2 =	seq.s32 @!p0 s5, $0x0  }
0x1f: {  	s9 =	smul.u32 $0xF7A, s1;
	s8 =	simm.s32 @!p0 $0x1BF5;
	p2 =	por !p2, p0  }
0x20: {  	[sflag:s8] =	ssyncset.s32 @!p0 $0xFFFFF086;
	s6 =	sadd.s32 @!p0 s3, s7;
	s7 =	simm.s32 @!p0 $0x108  }
0x21: {  	s3 =	sadd.s32 s3, s9;
	s6 =	sadd.s32 @!p0 $0x88, s6;
	s7 =	simm.s32 @p2 $0x1082  }
0x22: {  	[simem:s7], [sflag:s8] =	dma.local @!p0 [hbm:s6], $0xF7A  }
0x23: {  	s9 =	sor.u32 $0xD0000000, s2;
	s6 =	simm.s32 $0x108;
	_ =	swait.ge @!p0 [sflag:s8], $0x0  }
0x24: {  	s3 =	sadd.s32 $0x88, s3;
	s6 =	simm.s32 @!p1 $0x1082;
	[sflag:s4] =	ssyncset.s32 $0xFFFFF086  }
0x25: {  	[simem:s6], [sflag:s4] =	dma.local [hbm:s3], $0xF7A  }
0x26: {  	[smem:$0x3F9B] =	sst s1;
	(tag) =	ssettag s2;
	_ =	strace s9  }
0x27: {  	s1 =	sld [smem:$0x3FAB]  }
0x28: {  	s2 =	sld [smem:$0x3FAC]  }
0x29: {  	s4 =	sld [smem:$0x3FAE]  }
0x2a: {  	p0 =	seq.s32 s5, $0x0;
	s5 =	sld [smem:$0x3FAF]  }
0x2b: {  	s6 =	sld [smem:$0x3FB0]  }
0x2c: {  	s7 =	sld [smem:$0x3FB1]  }
0x2d: {  	s3 =	simm.s32 $0x108;
	s8 =	sld [smem:$0x3FB2]  }
0x2e: {  	s3 =	simm.s32 @!p0 $0x1082;
	s9 =	sld [smem:$0x3FB3]  }
0x2f: {  	lr =	sadd.s32 s0, s3;
	s0 =	sld [smem:$0x3FAA]  }
0x30: {  	s3 =	sld [smem:$0x3FAD]  }
0x31: {  	[smem:$0x3FB6] =	sst s10  }
0x32: {  	s10 =	sld [smem:$0x3FB4];
	_ =	sdelay $0x3  }
0x33: {  	p0 =	seq.s32 s10, $0x1;
	s10 =	sld [smem:$0x3FB6];
	_ =	sdelay $0x3  }
0x34: {  	[smem:$0x3FB6] =	sst s10  }
0x35: {  	s10 =	sld [smem:$0x3FB5];
	_ =	sdelay $0x3  }
0x36: {  	p1 =	seq.s32 s10, $0x1;
	s10 =	sld [smem:$0x3FB6];
	_ =	sdelay $0x3  }
0x37: {  	[smem:$0x3FB6] =	sst s10  }
0x38: {  	s10 =	sld [smem:$0x3FB7]  }
0x39: {  	_ = 	snop;
	(pc) =	sbr.ind lr, $3  }
0x3a: {  	_ = 	snop  }
0x3b: {  	_ = 	snop  }
0x3c: {  	p2 =	seq.s32 s10, $0x1;
	s10 =	sld [smem:$0x3FB6]  }
0x3d: {  	_ =	shalt  }
0x3e: {  	_ =	shalt  }
0x3f: {  	_ =	shalt  }
0x40: {  	_ =	shalt  }
0x41: {  	_ =	shalt  }
0x42: {  	_ =	shalt  }
0x43: {  	_ =	shalt  }
0x44: {  	_ =	shalt  }
0x45: {  	_ =	shalt  }
0x46: {  	_ =	shalt  }
0x47: {  	_ =	shalt  }
0x48: {  	_ =	shalt  }
0x49: {  	_ =	shalt  }
0x4a: {  	_ =	shalt  }
0x4b: {  	_ =	shalt  }
0x4c: {  	_ =	shalt  }
0x4d: {  	_ =	shalt  }
0x4e: {  	_ =	shalt  }
0x4f: {  	_ =	shalt  }
0x50: {  	_ =	shalt  }
0x51: {  	_ =	shalt  }
0x52: {  	_ =	shalt  }
0x53: {  	_ =	shalt  }
0x54: {  	_ =	shalt  }
0x55: {  	_ =	shalt  }
0x56: {  	_ =	shalt  }
0x57: {  	_ =	shalt  }
0x58: {  	_ =	shalt  }
0x59: {  	_ =	shalt  }
0x5a: {  	_ =	shalt  }
0x5b: {  	_ =	shalt  }
0x5c: {  	_ =	shalt  }
0x5d: {  	_ =	shalt  }
0x5e: {  	_ =	shalt  }
0x5f: {  	_ =	shalt  }
0x60: {  	_ =	shalt  }
0x61: {  	_ =	shalt  }
0x62: {  	_ =	shalt  }
0x63: {  	_ =	shalt  }
0x64: {  	_ =	shalt  }
0x65: {  	_ =	shalt  }
0x66: {  	_ =	shalt  }
0x67: {  	_ =	shalt  }
0x68: {  	_ =	shalt  }
0x69: {  	_ =	shalt  }
0x6a: {  	_ =	shalt  }
0x6b: {  	_ =	shalt  }
0x6c: {  	_ =	shalt  }
0x6d: {  	_ =	shalt  }
0x6e: {  	_ =	shalt  }
0x6f: {  	_ =	shalt  }
0x70: {  	_ =	shalt  }
0x71: {  	_ =	shalt  }
0x72: {  	_ =	shalt  }
0x73: {  	_ =	shalt  }
0x74: {  	_ =	shalt  }
0x75: {  	_ =	shalt  }
0x76: {  	_ =	shalt  }
0x77: {  	_ =	shalt  }
0x78: {  	_ =	shalt  }
0x79: {  	_ =	shalt  }
0x7a: {  	_ =	shalt  }
0x7b: {  	_ =	shalt  }
0x7c: {  	_ =	shalt  }
0x7d: {  	_ =	shalt  }
0x7e: {  	_ =	shalt  }
0x7f: {  	_ =	shalt  }
0x80: {  	_ =	shalt  }
0x81: {  	_ =	shalt  }
0x82: {  	_ =	shalt  }
0x83: {  	_ =	shalt  }
0x84: {  	_ =	shalt  }
0x85: {  	_ =	shalt  }
0x86: {  	_ =	shalt  }
0x87: {  	_ =	shalt  }
.Lfunc_end0:
.L_simem_size_0:
called_computation.1_lowered:
.L_overlay_start_0:
0x88: {  	s2 =	sld [smem:$0x3FD9]  }
0x89: {  	s3 =	sld [smem:$0x3FFE];
	_ =	sdelay $0x1  }
0x8a: {  	s1 =	srdreg.scid  }
0x8b: {  	s0 =	sand.u32 $0x1, s1  }
0x8c: {  	s14 =	sshll.u32 s0, $0xA;
	s2 =	sadd.s32 s3, s2  }
0x8d: {  	s2 =	sadd.s32 s2, s14  }
0x8e: {  	[smem:$0x3FC2] =	sst s2  }
0x8f: {  	_ = 	snop  }
0x90: {  	s2 =	sld [smem:$0x3FD0];
	_ =	sdelay $0x2  }
0x91: {  	s15 =	simm.s32 $0xA;
	s4 =	simm.s32 $0x10  }
0x92: {  	[smem:s4], [sflag:s15] =	dma.local [hbm:s2], $0x1  }
0x93: {  	_ =	swait.eq [sflag:s15], $0x1  }
0x94: {  	[sflag:s15] =	ssyncset.done $0x0  }
0x95: {  	s16 =	sld [smem:$0x10];
	[sflag:s15] =	ssyncadd.s32 $0xFFFFFFFF  }
0x96: {  	s17 =	sld [smem:$0x11];
	(tm) =	ssettm $0x1  }
0x97: {  	s18 =	sld [smem:$0x3FFB];
	_ =	sdelay $0x3  }
0x98: {  	_ =	strace s18  }
0x99: {  	s4 =	sld [smem:$0x3FFC];
	_ =	sdelay $0x3  }
0x9a: {  	_ =	strace s4  }
0x9b: {  	s4 =	sld [smem:$0x3FFD];
	_ =	sdelay $0x3  }
0x9c: {  	_ =	strace s4  }
0x9d: {  	_ =	strace $0x8FFFFFFF  }
0x9e: {  	s19 =	sld [smem:$0x3FDB];
	_ =	sdelay $0x1  }
0x9f: {  	s5 =	simm.s32 $_scs_section_size  }
0xa0: {  	s6 =	simm.s32 $_size__tile_overlayer_lowered;
	s7 =	simm.s32 $_tile_overlayer_lowered  }
0xa1: {  	s22 =	simm.s32 $0x1BFF;
	s21 =	sshll.u32 s7, $0x1;
	s4 =	sadd.s32 s5, s19  }
0xa2: {  	s8 =	simm.s32 $0x0;
	s20 =	sshll.u32 s6, $0x1;
	s6 =	sadd.s32 s21, s4  }
0xa3: {  	[timem:s8], [sflag:s22] =	dma.local [hbm:s6], s20  }
0xa4: {  	_ =	swait.ge [sflag:s22], s20  }
0xa5: {  	s5 =	ssub.s32 $0x0, s20;
	[sflag:s22] =	ssyncset.done $0x0  }
0xa6: {  	[sflag:s22] =	ssyncadd.s32 s5;
	_ =	sdelay $0x1  }
0xa7: {  	s23 =	simm.s32 $0x1B8B  }
0xa8: {  	_ =	swait.ge [sflag:s23], $0x1  }
0xa9: {  	[sflag:s23] =	ssyncset.done $0x0  }
0xaa: {  	s25 =	simm.s32 $0x1B8E;
	s24 =	sld [smem:$0x3FFE];
	[sflag:s23] =	ssyncadd.s32 $0xFFFFFFFF  }
0xab: {  	s26 =	simm.s32 $execute0_lowered;
	[smem:$0x3FD2] =	sst s25  }
0xac: {  	s6 =	sshll.u32 s26, $0x1;
	_ =	strace $0x80000049;
	[dreg:$0x1] =	wrdreg $0xFFFFFFFF  }
0xad: {  	s28 =	simm.s32 $_size_execute0_lowered;
	s4 =	sadd.s32 s4, s6;
	[dreg:$0x0] =	wrdreg $0x0  }
0xae: {  	s6 =	sshll.u32 s28, $0x1;
	[dreg:$0x2] =	wrdreg s4  }
0xaf: {  	[dreg:$0x3] =	wrdreg s6  }
0xb0: {  	[dreg:$0x4] =	wrdreg $0xC0  }
0xb1: {  	_ =	task [dreg:s8], $0x5FFFF  }
0xb2: {  	[dreg:$0x1] =	wrdreg $0xFFFFFFFF  }
0xb3: {  	[dreg:$0x0] =	wrdreg $0x60  }
0xb4: {  	[dreg:$0x2] =	wrdreg s16  }
0xb5: {  	[dreg:$0x3] =	wrdreg s17  }
0xb6: {  	[dreg:$0x4] =	wrdreg s24  }
0xb7: {  	[dreg:$0x5] =	wrdreg $0x82000  }
0xb8: {  	[dreg:$0x6] =	wrdreg $0x9  }
0xb9: {  	_ =	task.clear_ibuf [dreg:s8], $0x7FFFF;
	_ =	strace $0x90000049  }
0xba: {  	s29 =	simm.s32 $0x9;
	_ =	strace $0x8000004B  }
0xbb: {  	_ =	swait.ge [sflag:s29], $0x1  }
0xbc: {  	[sflag:s29] =	ssyncadd.s32 $0xFFFFFFFF  }
0xbd: {  	_ =	strace $0x9000004B  }
0xbe: {  	_ =	sfence  }
0xbf: {  	s30 =	sld [smem:$0x0];
	_ =	sdelay $0x2  }
0xc0: {  	s31 =	sshll.u32 s1, $0xD;
	s1 =	sshrl.u32 s1, $0x2  }
0xc1: {  	s3 =	sand.u32 $0x4000, s31;
	s1 =	sadd.s32 s1, s30  }
0xc2: {  	s0 =	sor.u32 s3, s0;
	s1 =	sshll.u32 s1, $0x11  }
0xc3: {  	s0 =	sor.u32 s1, s0  }
0xc4: {  	s0 =	sadd.s32 $0x8F2B, s0  }
0xc5: {  	[sflag:s0] =	ssyncadd.remote.s32 $0x1  }
0xc6: {  	_ =	sfence.sel $0xFFFF  }
0xc7: {  	[dreg:$0x0] =	wrdreg $0xFFFFFFFF;
	(pc) =	sbr.abs _section_cstart, $3  }
0xc8: {  	[dreg:$0x1] =	wrdreg $0xFFFFFFFF  }
0xc9: {  	_ =	task.clear_ibuf [dreg:s8], $0x2FFFF;
	_ =	strace $0x9FFFFFFF  }
0xca: {  	(tm) =	ssettm $0x7FFFFFFF  }
0xcb: {  	_ =	shalt  }
tec
execute0_lowered:
.L_overlay_start_1:
0x0: {  	(tag) =	ssettag $0x1  }
0x1: {  	s0 =	rddreg [dreg:$0x0]  }
0x2: {  	s1 =	rddreg [dreg:$0x1]  }
0x3: {  	s5 =	rddreg [dreg:$0x2]  }
0x4: {  	s2 =	rddreg [dreg:$0x3];
	s3 =	simm.s32 $0x0  }
0x5: {  	s14 =	stileid.u32;
	s4 =	srdreg.scid;
	s28 =	simm.s32 $0x3  }
0x6: {  	s29 =	simm.s32 $0x6;
	s30 =	simm.s32 $0x4;
	s31 =	simm.s32 $0x0  }
0x7: {  	[smem:$0x7FF] =	sst s3;
	s6 =	smul.u32 $0x2800, s14;
	s7 =	sand.u32 $0x1, s4  }
0x8: {  	s4 =	sadd.s32 $0x1800, s5;
	s11 =	smul.u32 $0x50000, s14;
	s23 =	sshll.u32 s14, $0x6  }
0x9: {  	_ =	strace $0x8000004A;
	s8 =	smul.u32 $0x28000, s7;
	s10 =	sshll.u32 s7, $0x4  }
0xa: {  	s17 =	ssub.s32 $0x2, s7;
	s9 =	sadd.s32 s6, s5;
	s18 =	sor.u32 s14, s10  }
0xb: {  	s19 =	sshrl.u32 s17, $0x1;
	s20 =	sshrl.u32 s11, $0x2;
	s12 =	sadd.s32 s6, s8  }
0xc: {  	s7 =	smul.u32 $0x2800, s18;
	s13 =	ssub.s32 s17, s19;
	s17 =	sadd.s32 s20, s2  }
0xd: {  	s22 =	sadd.s32 $0x29800, s9;
	s6 =	sor.u32 $0x1C07, s23;
	s18 =	simm.s32 $0x7  }
0xe: {  	s19 =	simm.s32 $0x100;
	s20 =	simm.s32 $0x80;
	s23 =	simm.s32 $0x200  }
0xf: {  	s21 =	sadd.s32 s12, s5;
	[dreg:$0x5] =	wrdreg s22;
	s26 =	sor.u32 $0x180, s12  }
0x10: {  	s15 =	sor.u32 $0x100, s12;
	s12 =	smax.u32 s13, $0x1;
	s17 =	sshrl.u32 s17, $0x3  }
0x11: {  	s22 =	simm.s32 $0x1;
	s24 =	sshrl.u32 s7, $0x3;
	s11 =	sadd.s32 $0x51800, s21  }
0x12: {  	s14 =	sshrl.u32 s26, $0x3;
	s16 =	sshrl.u32 s15, $0x3;
	s21 =	simm.s32 $0x180  }
0x13: {  	s26 =	simm.s32 $0x5;
	s7 =	sadd.s32 s0, s24;
	s25 =	sor.u32 $0x10, s24  }
0x14: {  	s8 =	sadd.s32 s1, s24;
	s13 =	sadd.s32 s14, s1;
	s14 =	sadd.s32 s14, s0  }
0x15: {  	s15 =	sadd.s32 s16, s1;
	s16 =	sadd.s32 s16, s0;
	s24 =	simm.s32 $0x2  }
0x16: {  	s9 =	sadd.s32 s0, s25;
	s10 =	sadd.s32 s1, s25;
	s25 =	simm.s32 $0x4200  }
.LBB2_1:
0x17: {  	s0 =	rddreg [dreg:$0x5]  }
0x18: {  	[spmem:s17], [sflag:s6] =	dma.local [hbm:s0], $0x2800  }
0x19: {  	_ =	swait.ge [sflag:s18], $0x2800  }
0x1a: {  	[sflag:s18] =	ssyncset.done $0x0  }
0x1b: {  	[sflag:s18] =	ssyncadd.s32 $0xFFFFD800  }
0x1c: {  	[bflag:$0x0] =	sbarrier.arrive $0xFFFF  }
0x1d: {  	[tilespmem:s3], [sflag:$0x1] =	stream.linear.gather [hbm4b:s7+s3], $0x80, $0x38;
	[tilespmem:$0x1C200] =	vst v63  }
0x1e: {  	_ = 	snop  }
0x1f: {  	[tilespmem:s19], [sflag:$0x3] =	stream.linear.gather [hbm4b:s8+s3], $0x80, $0x38;
	[tilespmem:$0x1C200] =	vst v63  }
0x20: {  	_ = 	snop  }
0x21: {  	[tilespmem:s20], [sflag:$0x2] =	stream.linear.gather [hbm4b:s9+s3], $0x80, $0x38;
	[tilespmem:$0x1C200] =	vst v63  }
0x22: {  	_ = 	snop  }
0x23: {  	[tilespmem:s21], [sflag:$0x4] =	stream.linear.gather [hbm4b:s10+s3], $0x80, $0x38;
	[tilespmem:$0x1C200] =	vst v63  }
0x24: {  	_ =	swait.ge [sflag:s22], $0x80  }
0x25: {  	[sflag:s22] =	ssyncset.done $0x0  }
0x26: {  	[sflag:s22] =	ssyncadd.s32 $0xFFFFFF80  }
0x27: {  	[tilespmem:s23], [sflag:$0x5] =	stream.indirect.gather [hbm4b:s4+s20], $0x80, s3, s20, $0xb8;
	[tilespmem:$0x1C200] =	vst v63  }
0x28: {  	_ =	swait.ge [sflag:s24], $0x80  }
0x29: {  	[sflag:s24] =	ssyncset.done $0x0  }
0x2a: {  	[sflag:s24] =	ssyncadd.s32 $0xFFFFFF80  }
0x2b: {  	[tilespmem:s25], [sflag:$0x6] =	stream.indirect.gather [hbm4b:s4+s20], $0x80, s20, s20, $0xb8;
	[tilespmem:$0x1C200] =	vst v63  }
0x2c: {  	_ =	swait.ge [sflag:s26], $0x4000  }
0x2d: {  	[sflag:s26] =	ssyncset.done $0x0  }
0x2e: {  	s5 =	sadd.s32 $0x0, s16;
	[sflag:s26] =	ssyncadd.s32 $0xFFFFC000  }
0x2f: {  	[tilespmem:s3], [sflag:$0x1] =	stream.linear.gather [hbm4b:s5+s3], $0x80, $0x38;
	[tilespmem:$0x1C200] =	vst v63  }
0x30: {  	_ =	swait.ge [sflag:s28], $0x80  }
0x31: {  	[sflag:s28] =	ssyncset.done $0x0  }
0x32: {  	[sflag:s28] =	ssyncadd.s32 $0xFFFFFF80  }
0x33: {  	[spmem:s2] =	stream.indirect.scatter.add.f32 [tilespmem:s23], [sflag:$0x7], $0x80, s19, s20, $0xb8;
	[tilespmem:$0x1C200] =	vst v63  }
0x34: {  	_ =	swait.ge [sflag:s18], $0x4000  }
0x35: {  	[sflag:s18] =	ssyncset.done $0x0  }
0x36: {  	s1 =	sadd.s32 $0x0, s15;
	[sflag:s18] =	ssyncadd.s32 $0xFFFFC000  }
0x37: {  	[tilespmem:s19], [sflag:$0x3] =	stream.linear.gather [hbm4b:s1+s3], $0x80, $0x38;
	[tilespmem:$0x1C200] =	vst v63  }
0x38: {  	_ =	swait.ge [sflag:s22], $0x80  }
0x39: {  	[sflag:s22] =	ssyncset.done $0x0  }
0x3a: {  	[sflag:s22] =	ssyncadd.s32 $0xFFFFFF80  }
0x3b: {  	[tilespmem:s23], [sflag:$0x5] =	stream.indirect.gather [hbm4b:s4+s20], $0x80, s3, s20, $0xb8;
	[tilespmem:$0x1C200] =	vst v63  }
0x3c: {  	_ =	swait.ge [sflag:s29], $0x4000  }
0x3d: {  	[sflag:s29] =	ssyncset.done $0x0  }
0x3e: {  	s5 =	sadd.s32 $0x0, s14;
	[sflag:s29] =	ssyncadd.s32 $0xFFFFC000  }
0x3f: {  	[tilespmem:s20], [sflag:$0x2] =	stream.linear.gather [hbm4b:s5+s3], $0x80, $0x38;
	[tilespmem:$0x1C200] =	vst v63  }
0x40: {  	_ =	swait.ge [sflag:s30], $0x80  }
0x41: {  	[sflag:s30] =	ssyncset.done $0x0  }
0x42: {  	[sflag:s30] =	ssyncadd.s32 $0xFFFFFF80  }
0x43: {  	[spmem:s2] =	stream.indirect.scatter.add.f32 [tilespmem:s25], [sflag:$0x7], $0x80, s21, s20, $0xb8;
	[tilespmem:$0x1C200] =	vst v63  }
0x44: {  	_ =	swait.ge [sflag:s18], $0x4000  }
0x45: {  	[sflag:s18] =	ssyncset.done $0x0  }
0x46: {  	s0 =	simm.s32 $0x20;
	s1 =	sadd.s32 $0x0, s13;
	[sflag:s18] =	ssyncadd.s32 $0xFFFFC000  }
.LBB2_2:
0x47: {  	[tilespmem:s21], [sflag:$0x4] =	stream.linear.gather [hbm4b:s1+s3], $0x80, $0x38;
	[tilespmem:$0x1C200] =	vst v63  }
0x48: {  	s1 =	smov.u32 s0  }
0x49: {  	p0 =	sne.s32 s0, $0x4C0;
	s0 =	sadd.s32 $0x20, s0;
	_ =	swait.ge [sflag:s24], $0x80  }
0x4a: {  	[sflag:s24] =	ssyncset.done $0x0  }
0x4b: {  	[sflag:s24] =	ssyncadd.s32 $0xFFFFFF80  }
0x4c: {  	[tilespmem:s25], [sflag:$0x6] =	stream.indirect.gather [hbm4b:s4+s20], $0x80, s20, s20, $0xb8;
	[tilespmem:$0x1C200] =	vst v63  }
0x4d: {  	_ =	swait.ge [sflag:s26], $0x4000  }
0x4e: {  	[sflag:s26] =	ssyncset.done $0x0  }
0x4f: {  	s5 =	sadd.s32 s1, s16;
	[sflag:s26] =	ssyncadd.s32 $0xFFFFC000  }
0x50: {  	[tilespmem:s3], [sflag:$0x1] =	stream.linear.gather [hbm4b:s5+s3], $0x80, $0x38;
	[tilespmem:$0x1C200] =	vst v63  }
0x51: {  	_ =	swait.ge [sflag:s28], $0x80  }
0x52: {  	[sflag:s28] =	ssyncset.done $0x0  }
0x53: {  	[sflag:s28] =	ssyncadd.s32 $0xFFFFFF80  }
0x54: {  	[spmem:s2] =	stream.indirect.scatter.add.f32 [tilespmem:s23], [sflag:$0x7], $0x80, s19, s20, $0xb8;
	[tilespmem:$0x1C200] =	vst v63  }
0x55: {  	_ =	swait.ge [sflag:s18], $0x4000  }
0x56: {  	[sflag:s18] =	ssyncset.done $0x0  }
0x57: {  	s5 =	sadd.s32 s1, s15;
	[sflag:s18] =	ssyncadd.s32 $0xFFFFC000  }
0x58: {  	[tilespmem:s19], [sflag:$0x3] =	stream.linear.gather [hbm4b:s5+s3], $0x80, $0x38;
	[tilespmem:$0x1C200] =	vst v63  }
0x59: {  	_ =	swait.ge [sflag:s22], $0x80  }
0x5a: {  	[sflag:s22] =	ssyncset.done $0x0  }
0x5b: {  	[sflag:s22] =	ssyncadd.s32 $0xFFFFFF80  }
0x5c: {  	[tilespmem:s23], [sflag:$0x5] =	stream.indirect.gather [hbm4b:s4+s20], $0x80, s3, s20, $0xb8;
	[tilespmem:$0x1C200] =	vst v63  }
0x5d: {  	_ =	swait.ge [sflag:s29], $0x4000  }
0x5e: {  	[sflag:s29] =	ssyncset.done $0x0  }
0x5f: {  	s5 =	sadd.s32 s1, s14;
	[sflag:s29] =	ssyncadd.s32 $0xFFFFC000  }
0x60: {  	[tilespmem:s20], [sflag:$0x2] =	stream.linear.gather [hbm4b:s5+s3], $0x80, $0x38;
	[tilespmem:$0x1C200] =	vst v63  }
0x61: {  	_ =	swait.ge [sflag:s30], $0x80  }
0x62: {  	[sflag:s30] =	ssyncset.done $0x0  }
.Ltmp0:
0x63: {  	[sflag:s30] =	ssyncadd.s32 $0xFFFFFF80;
	(pc) =	sbr.rel @p0 .LBB2_2-.Ltmp0, $4  }
0x64: {  	[spmem:s2] =	stream.indirect.scatter.add.f32 [tilespmem:s25], [sflag:$0x7], $0x80, s21, s20, $0xb8;
	[tilespmem:$0x1C200] =	vst v63  }
0x65: {  	_ =	swait.ge [sflag:s18], $0x4000  }
0x66: {  	[sflag:s18] =	ssyncset.done $0x0  }
0x67: {  	s1 =	sadd.s32 s1, s13;
	[sflag:s18] =	ssyncadd.s32 $0xFFFFC000  }
0x68: {  	[tilespmem:s21], [sflag:$0x4] =	stream.linear.gather [hbm4b:s1+s3], $0x80, $0x38;
	[tilespmem:$0x1C200] =	vst v63  }
0x69: {  	_ =	swait.ge [sflag:s24], $0x80  }
0x6a: {  	[sflag:s24] =	ssyncset.done $0x0  }
0x6b: {  	[sflag:s24] =	ssyncadd.s32 $0xFFFFFF80  }
0x6c: {  	[tilespmem:s25], [sflag:$0x6] =	stream.indirect.gather [hbm4b:s4+s20], $0x80, s20, s20, $0xb8;
	[tilespmem:$0x1C200] =	vst v63  }
0x6d: {  	_ =	swait.ge [sflag:s26], $0x4000  }
0x6e: {  	[sflag:s26] =	ssyncset.done $0x0  }
0x6f: {  	[sflag:s26] =	ssyncadd.s32 $0xFFFFC000  }
0x70: {  	_ =	swait.ge [sflag:s28], $0x80  }
0x71: {  	[sflag:s28] =	ssyncset.done $0x0  }
0x72: {  	[sflag:s28] =	ssyncadd.s32 $0xFFFFFF80  }
0x73: {  	[spmem:s2] =	stream.indirect.scatter.add.f32 [tilespmem:s23], [sflag:$0x7], $0x80, s19, s20, $0xb8;
	[tilespmem:$0x1C200] =	vst v63  }
0x74: {  	_ =	swait.ge [sflag:s18], $0x4000  }
0x75: {  	[sflag:s18] =	ssyncset.done $0x0  }
0x76: {  	[sflag:s18] =	ssyncadd.s32 $0xFFFFC000  }
0x77: {  	_ =	swait.ge [sflag:s29], $0x4000  }
0x78: {  	[sflag:s29] =	ssyncset.done $0x0  }
0x79: {  	[sflag:s29] =	ssyncadd.s32 $0xFFFFC000  }
0x7a: {  	_ =	swait.ge [sflag:s30], $0x80  }
0x7b: {  	[sflag:s30] =	ssyncset.done $0x0  }
0x7c: {  	[sflag:s30] =	ssyncadd.s32 $0xFFFFFF80  }
0x7d: {  	[spmem:s2] =	stream.indirect.scatter.add.f32 [tilespmem:s25], [sflag:$0x7], $0x80, s21, s20, $0xb8;
	[tilespmem:$0x1C200] =	vst v63  }
0x7e: {  	_ =	swait.ge [sflag:s18], $0x4000  }
0x7f: {  	s31 =	sadd.s32 $0x1, s31;
	[sflag:s18] =	ssyncset.done $0x0  }
0x80: {  	p0 =	sne.s32 s31, s12;
	[sflag:s18] =	ssyncadd.s32 $0xFFFFC000  }
.Ltmp1:
0x81: {  	[bflag:$0x0] =	sbarrier.arrive $0xFFFF;
	(pc) =	sbr.rel @p0 .LBB2_1-.Ltmp1, $4  }
0x82: {  	[hbm:s11], [sflag:s6] =	dma.local [spmem:s17], $0x2800  }
0x83: {  	_ =	swait.ge [sflag:s18], $0x2800  }
0x84: {  	[sflag:s18] =	ssyncset.done $0x0  }
0x85: {  	[sflag:s18] =	ssyncadd.s32 $0xFFFFD800  }
0x86: {  	_ =	sfence.sel $0x180000  }
0x87: {  	[bflag:$0x0] =	sbarrier.arrive $0xFFFF  }
0x88: {  	_ =	strace $0x9000004A  }
0x89: {  	s0 =	stileid.u32;
	[bflag:$0x2] =	sbarrier.arrive $0xFFFF  }
0x8a: {  	p0 =	sne.s32 s0, $0x0;
	s0 =	rddreg [dreg:$0x4]  }
0x8b: {  	s0 =	sadd.s32 @!p0 $0x100000, s0  }
0x8c: {  	[sflag:s0] =	ssyncadd.tile.s32 @!p0 $0x1;
	_ =	shalt  }
.Lfunc_end2:
_tile_overlayer_lowered:
.L_overlay_start_2:
0x8d: {  	(tag) =	ssettag $0x2  }
0x8e: {  	s0 =	rddreg [dreg:$0x0];
	s2 =	stileid.u32  }
0x8f: {  	s1 =	rddreg [dreg:$0x1];
	p0 =	sne.s32 s2, $0x0  }
0x90: {  	s3 =	rddreg [dreg:$0x2];
	[bflag:$0x3] =	sbarrier.arrive $0xFFFF;
	s2 =	simm.s32 @!p0 $0x1C07  }
0x91: {  	[timem:s3], [sflag:s2] =	dma.local @!p0 [hbm:s0], s1  }
0x92: {  	s0 =	simm.s32 @!p0 $0x7  }
0x93: {  	_ =	swait.ge @!p0 [sflag:s0], s1  }
0x94: {  	s1 =	ssub.s32 @!p0 $0x0, s1;
	[sflag:s0] =	ssyncset.done @!p0 $0x0  }
0x95: {  	[sflag:s0] =	ssyncadd.s32 @!p0 s1  }
0x96: {  	[bflag:$0x3] =	sbarrier.arrive $0xFFFF  }
0x97: {  	_ =	shalt  }

</sc_bundles>
